<compile_context>
chip_gen: v7x
topology: tpu7x:2x2x1
jax: 0.10.2.dev20260603
libtpu: 0.0.44.dev20260713+nightly
codegen_flags: <defaults>
</compile_context>

<pallas_src>
import functools

import jax
import jax.numpy as jnp
from jax import lax
from jax.experimental import pallas as pl
from jax.experimental.pallas import tpu as pltpu
from jax.experimental.pallas import tpu_sc as plsc

B = 16384
F = 26
V = 100000
D = 32

NC = 2
NS = 16
NW = NC * NS
PLANES = F * D
PER_W = PLANES // NW
L = 16
H0N = 50048
H1OFF = 49920
H1N = 50048
TOFF = V - 128
TN = 128
H1B = H1N + TN
IH = B // 2
GRP = IH // L

_mesh = plsc.VectorSubcoreMesh(core_axis_name="c", subcore_axis_name="s")


@functools.partial(
    pl.kernel,
    out_type=jax.ShapeDtypeStruct((F, D, B), jnp.float32),
    mesh=_mesh,
    scratch_types=[
        pltpu.VMEM((H0N,), jnp.float32),
        pltpu.VMEM((H1B,), jnp.float32),
        pltpu.VMEM((B,), jnp.int32),
        pltpu.VMEM((IH,), jnp.float32),
        pltpu.SemaphoreType.DMA,
        pltpu.SemaphoreType.DMA,
    ],
    compiler_params=pltpu.CompilerParams(needs_layout_passes=False),
)
def _plane_gather(x_t_hbm, w_t_hbm, tail_hbm, out_hbm,
                  h0, h1, idx_v, oh, sem0, sem1):
    wid = lax.axis_index("s") * NC + lax.axis_index("c")
    p0 = wid * PER_W

    def issue_h0(f, d):
        pltpu.async_copy(w_t_hbm.at[f, d].at[pl.ds(0, H0N)], h0, sem0)

    def issue_h1(f, d):
        pltpu.async_copy(
            w_t_hbm.at[f, d].at[pl.ds(H1OFF, H1N)],
            h1.at[pl.ds(0, H1N)], sem1)
        pltpu.async_copy(tail_hbm.at[f, d], h1.at[pl.ds(H1N, TN)], sem1)

    def wait_h0(f, d):
        pltpu.make_async_copy(
            w_t_hbm.at[f, d].at[pl.ds(0, H0N)], h0, sem0).wait()

    def wait_h1(f, d):
        pltpu.make_async_copy(
            w_t_hbm.at[f, d].at[pl.ds(H1OFF, H1N)],
            h1.at[pl.ds(0, H1N)], sem1).wait()
        pltpu.make_async_copy(
            tail_hbm.at[f, d], h1.at[pl.ds(H1N, TN)], sem1).wait()

    def sweep_lo(ih_base):
        @plsc.parallel_loop(0, GRP, 1, unroll=8)
        def _(i):
            ii = idx_v[pl.ds(ih_base + i * L, L)]
            m = ii < H0N
            oh[pl.ds(i * L, L)] = plsc.load_gather(h0, [ii], mask=m)

    def sweep_hi(ih_base):
        lane = lax.iota(jnp.int32, L)

        @plsc.parallel_loop(0, GRP, 1, unroll=8)
        def _(i):
            ii = idx_v[pl.ds(ih_base + i * L, L)]
            hi = ii >= H0N
            jj = ii - jnp.where(ii < H1OFF + H1N, H1OFF, H1OFF - 96)
            g1 = plsc.load_gather(h1, [jj], mask=hi)
            plsc.store_scatter(oh, [i * L + lane], g1, mask=hi)

    f_first = p0 // D
    d_first = p0 % D
    pltpu.sync_copy(x_t_hbm.at[f_first], idx_v)
    issue_h0(f_first, d_first)
    issue_h1(f_first, d_first)

    def plane(p, carry):
        pp = p0 + p
        f = pp // D
        d = pp % D
        pn = pp + 1
        fn = pn // D
        dn = pn % D

        @pl.when(jnp.logical_and(d == 0, p > 0))
        def _():
            pltpu.sync_copy(x_t_hbm.at[f], idx_v)

        wait_h0(f, d)
        sweep_lo(0)
        wait_h1(f, d)
        sweep_hi(0)
        pltpu.sync_copy(oh, out_hbm.at[f, d].at[pl.ds(0, IH)])

        sweep_lo(IH)

        @pl.when(p < PER_W - 1)
        def _():
            issue_h0(fn, dn)

        sweep_hi(IH)

        @pl.when(p < PER_W - 1)
        def _():
            issue_h1(fn, dn)

        pltpu.sync_copy(oh, out_hbm.at[f, d].at[pl.ds(IH, IH)])
        return carry

    lax.fori_loop(0, PER_W, plane, 0)


def kernel(x, W):
    w_t = W.transpose(0, 2, 1)
    w_tail = W[:, TOFF:V, :].transpose(0, 2, 1)
    out_t = _plane_gather(x.T.astype(jnp.int32), w_t, w_tail)
    return out_t.transpose(2, 0, 1)

# --- scband reference (transcript-rebuilt; emitter-appended) ---
"""Pipeline reference for scband-categorical-embedding-89781996356372 (READ-ONLY COPY).

The authoritative reference and input builder live on the scoring server;
editing this copy changes nothing except your own understanding.
"""

import jax, jax.numpy as jnp
import numpy as np

B = 16384
F = 26
V = 100000
D = 32

def setup_inputs(seed: int = 0) -> dict:
    key = jax.random.key(seed)
    kx, kw = jax.random.split(key)
    x = jax.random.randint(kx, (B, F), 0, V)
    # All 26 tables have identical shape (V+1, D); stack into one tensor [F, V+1, D].
    W = jax.random.normal(kw, (F, V + 1, D), dtype=jnp.float32) * 0.02
    # padding_idx = 0 rows are zeroed, matching nn.Embedding(padding_idx=0) init.
    W = W.at[:, 0, :].set(0.0)
    return {"x": x, "W": W}

def reference(x, W):
    # out[b, f, :] = W[f, x[b, f], :]  (per-field embedding lookup, stacked on dim 1)
    f_idx = jnp.arange(W.shape[0])[None, :]  # [1, F]
    out = W[f_idx, x]                        # [B, F, D]
    return out

if __name__ == "__main__":
    import jax
    _d = setup_inputs()
    print(jax.jit(kernel)(*tuple(_d.values())))

</pallas_src>

<mosaic_0001>
#map = affine_map<(d0, d1) -> (0, 0)>
#map1 = affine_map<(d0, d1) -> (0, 0, 0)>
module attributes {stable_mosaic.version = 14 : i64} {
  func.func @_plane_gather(%arg0: i32, %arg1: i32, %arg2: memref<26x16384xi32, #tpu.memory_space<hbm>>, %arg3: memref<26x32x100001xf32, #tpu.memory_space<hbm>>, %arg4: memref<26x32x128xf32, #tpu.memory_space<hbm>>, %arg5: memref<26x32x16384xf32, #tpu.memory_space<hbm>>, %arg6: memref<50048xf32, #tpu.memory_space<vmem>>, %arg7: memref<50176xf32, #tpu.memory_space<vmem>>, %arg8: memref<16384xi32, #tpu.memory_space<vmem>>, %arg9: memref<8192xf32, #tpu.memory_space<vmem>>, %arg10: memref<!tpu.dma_semaphore, #tpu.memory_space<semaphore_mem>>, %arg11: memref<!tpu.dma_semaphore, #tpu.memory_space<semaphore_mem>>) attributes {dimension_semantics = [#tpu.dimension_semantics<core_parallel>, #tpu.dimension_semantics<subcore_parallel>], iteration_bounds = array<i64: 2, 16>, scalar_prefetch = 0 : i64, scratch_operands = 6 : i64, tpu.core_type = #tpu.core_type<sc_vector_subcore>, window_params = [{transform_indices = #map}, {transform_indices = #map1}, {transform_indices = #map1}, {transform_indices = #map1}]} {
    %mul3A = arith.constant 2 : i32
    %mul3A_0 = arith.muli %arg1, %mul3A : i32
    %add3A = arith.addi %mul3A_0, %arg0 : i32
    %mul3A_1 = arith.constant 26 : i32
    %mul3A_2 = arith.muli %add3A, %mul3A_1 : i32
    %jit3A = arith.constant 32 : i32
    %div3A = arith.divsi %mul3A_2, %jit3A : i32
    %sign3A = arith.constant 0 : i32
    %sign3A_3 = arith.cmpi sgt, %mul3A_2, %sign3A : i32
    %sign3A_4 = arith.extui %sign3A_3 : i1 to i32
    %sign3A_5 = arith.constant 0 : i32
    %sign3A_6 = arith.cmpi slt, %mul3A_2, %sign3A_5 : i32
    %sign3A_7 = arith.extui %sign3A_6 : i1 to i32
    %sign3A_8 = arith.subi %sign3A_4, %sign3A_7 : i32
    %sign3A_9 = arith.constant 0 : i32
    %sign3A_10 = arith.cmpi sgt, %jit3A, %sign3A_9 : i32
    %sign3A_11 = arith.extui %sign3A_10 : i1 to i32
    %sign3A_12 = arith.constant 0 : i32
    %sign3A_13 = arith.cmpi slt, %jit3A, %sign3A_12 : i32
    %sign3A_14 = arith.extui %sign3A_13 : i1 to i32
    %sign3A_15 = arith.subi %sign3A_11, %sign3A_14 : i32
    %ne3A = arith.cmpi ne, %sign3A_8, %sign3A_15 : i32
    %rem3A = arith.remsi %mul3A_2, %jit3A : i32
    %ne3A_16 = arith.constant 0 : i32
    %ne3A_17 = arith.cmpi ne, %rem3A, %ne3A_16 : i32
    %and3A = arith.andi %ne3A, %ne3A_17 : i1
    %sub3A = arith.constant 1 : i32
    %sub3A_18 = arith.subi %div3A, %sub3A : i32
    %select_n3A = arith.select %and3A, %sub3A_18, %div3A : i32
    %jit3A_19 = arith.constant 32 : i32
    %eq3A = arith.constant 0 : i32
    %eq3A_20 = arith.cmpi eq, %jit3A_19, %eq3A : i32
    %jit3A_21 = arith.constant 1 : i32
    %select_n3A_22 = arith.select %eq3A_20, %jit3A_21, %jit3A_19 : i32
    %rem3A_23 = arith.remsi %mul3A_2, %select_n3A_22 : i32
    %ne3A_24 = arith.constant 0 : i32
    %ne3A_25 = arith.cmpi ne, %rem3A_23, %ne3A_24 : i32
    %lt3A = arith.constant 0 : i32
    %lt3A_26 = arith.cmpi slt, %rem3A_23, %lt3A : i32
    %lt3A_27 = arith.constant 0 : i32
    %lt3A_28 = arith.cmpi slt, %select_n3A_22, %lt3A_27 : i32
    %ne3A_29 = arith.xori %lt3A_26, %lt3A_28 : i1
    %and3A_30 = arith.andi %ne3A_29, %ne3A_25 : i1
    %add3A_31 = arith.addi %rem3A_23, %select_n3A_22 : i32
    %select_n3A_32 = arith.select %and3A_30, %add3A_31, %rem3A_23 : i32
    "tpu.region"() ({
      %run_scoped3A = tpu.sem_alloc : memref<!tpu.dma_semaphore, #tpu.memory_space<semaphore_mem>>
      %dma_start3A_71 = arith.constant 0 : i32
      %dma_start3A_72 = tpu.memref_slice %arg2[%select_n3A, %dma_start3A_71] : memref<26x16384xi32, #tpu.memory_space<hbm>> -> memref<1x16384xi32, #tpu.memory_space<hbm>>
      %dma_start3A_73 = tpu.memref_squeeze %dma_start3A_72 : memref<1x16384xi32, #tpu.memory_space<hbm>> -> memref<16384xi32, #tpu.memory_space<hbm>>
      %dma_start3A_74 = arith.constant 0 : i32
      %dma_start3A_75 = tpu.memref_slice %arg2[%select_n3A, %dma_start3A_74] : memref<26x16384xi32, #tpu.memory_space<hbm>> -> memref<1x16384xi32, #tpu.memory_space<hbm>>
      %dma_start3A_76 = tpu.memref_squeeze %dma_start3A_75 : memref<1x16384xi32, #tpu.memory_space<hbm>> -> memref<16384xi32, #tpu.memory_space<hbm>>
      tpu.enqueue_dma source(%dma_start3A_76 : memref<16384xi32, #tpu.memory_space<hbm>>) target(%arg8 : memref<16384xi32, #tpu.memory_space<vmem>>) target_semaphore(%run_scoped3A : memref<!tpu.dma_semaphore, #tpu.memory_space<semaphore_mem>>)
      %dma_wait3A = arith.constant 0 : i32
      %dma_wait3A_77 = tpu.memref_slice %arg2[%select_n3A, %dma_wait3A] : memref<26x16384xi32, #tpu.memory_space<hbm>> -> memref<1x16384xi32, #tpu.memory_space<hbm>>
      %dma_wait3A_78 = tpu.memref_squeeze %dma_wait3A_77 : memref<1x16384xi32, #tpu.memory_space<hbm>> -> memref<16384xi32, #tpu.memory_space<hbm>>
      %dma_wait3A_79 = arith.constant 0 : i32
      %dma_wait3A_80 = tpu.memref_slice %arg2[%select_n3A, %dma_wait3A_79] : memref<26x16384xi32, #tpu.memory_space<hbm>> -> memref<1x16384xi32, #tpu.memory_space<hbm>>
      %dma_wait3A_81 = tpu.memref_squeeze %dma_wait3A_80 : memref<1x16384xi32, #tpu.memory_space<hbm>> -> memref<16384xi32, #tpu.memory_space<hbm>>
      tpu.wait_dma2 semaphore(%run_scoped3A : memref<!tpu.dma_semaphore, #tpu.memory_space<semaphore_mem>>) src(%dma_wait3A_81 : memref<16384xi32, #tpu.memory_space<hbm>>) dst(%arg8 : memref<16384xi32, #tpu.memory_space<vmem>>)
      tpu.yield
    }) : () -> ()
    %dma_start3A = arith.constant 0 : i32
    %dma_start3A_33 = tpu.memref_slice %arg3[%select_n3A, %select_n3A_32, %dma_start3A] : memref<26x32x100001xf32, #tpu.memory_space<hbm>> -> memref<1x1x100001xf32, #tpu.memory_space<hbm>>
    %dma_start3A_34 = tpu.memref_squeeze %dma_start3A_33 : memref<1x1x100001xf32, #tpu.memory_space<hbm>> -> memref<100001xf32, #tpu.memory_space<hbm>>
    %dma_start3A_35 = arith.constant 0 : i32
    %dma_start3A_36 = tpu.memref_slice %dma_start3A_34[%dma_start3A_35] : memref<100001xf32, #tpu.memory_space<hbm>> -> memref<50048xf32, #tpu.memory_space<hbm>>
    %dma_start3A_37 = arith.constant 0 : i32
    %dma_start3A_38 = tpu.memref_slice %arg3[%select_n3A, %select_n3A_32, %dma_start3A_37] : memref<26x32x100001xf32, #tpu.memory_space<hbm>> -> memref<1x1x100001xf32, #tpu.memory_space<hbm>>
    %dma_start3A_39 = tpu.memref_squeeze %dma_start3A_38 : memref<1x1x100001xf32, #tpu.memory_space<hbm>> -> memref<100001xf32, #tpu.memory_space<hbm>>
    %dma_start3A_40 = arith.constant 0 : i32
    %dma_start3A_41 = tpu.memref_slice %dma_start3A_39[%dma_start3A_40] : memref<100001xf32, #tpu.memory_space<hbm>> -> memref<50048xf32, #tpu.memory_space<hbm>>
    tpu.enqueue_dma source(%dma_start3A_41 : memref<50048xf32, #tpu.memory_space<hbm>>) target(%arg6 : memref<50048xf32, #tpu.memory_space<vmem>>) target_semaphore(%arg10 : memref<!tpu.dma_semaphore, #tpu.memory_space<semaphore_mem>>)
    %dma_start3A_42 = arith.constant 0 : i32
    %dma_start3A_43 = tpu.memref_slice %arg7[%dma_start3A_42] : memref<50176xf32, #tpu.memory_space<vmem>> -> memref<50048xf32, #tpu.memory_space<vmem>>
    %dma_start3A_44 = arith.constant 0 : i32
    %dma_start3A_45 = tpu.memref_slice %arg3[%select_n3A, %select_n3A_32, %dma_start3A_44] : memref<26x32x100001xf32, #tpu.memory_space<hbm>> -> memref<1x1x100001xf32, #tpu.memory_space<hbm>>
    %dma_start3A_46 = tpu.memref_squeeze %dma_start3A_45 : memref<1x1x100001xf32, #tpu.memory_space<hbm>> -> memref<100001xf32, #tpu.memory_space<hbm>>
    %dma_start3A_47 = arith.constant 49920 : i32
    %dma_start3A_48 = tpu.memref_slice %dma_start3A_46[%dma_start3A_47] : memref<100001xf32, #tpu.memory_space<hbm>> -> memref<50048xf32, #tpu.memory_space<hbm>>
    %dma_start3A_49 = arith.constant 0 : i32
    %dma_start3A_50 = tpu.memref_slice %arg7[%dma_start3A_49] : memref<50176xf32, #tpu.memory_space<vmem>> -> memref<50048xf32, #tpu.memory_space<vmem>>
    %dma_start3A_51 = arith.constant 0 : i32
    %dma_start3A_52 = tpu.memref_slice %arg3[%select_n3A, %select_n3A_32, %dma_start3A_51] : memref<26x32x100001xf32, #tpu.memory_space<hbm>> -> memref<1x1x100001xf32, #tpu.memory_space<hbm>>
    %dma_start3A_53 = tpu.memref_squeeze %dma_start3A_52 : memref<1x1x100001xf32, #tpu.memory_space<hbm>> -> memref<100001xf32, #tpu.memory_space<hbm>>
    %dma_start3A_54 = arith.constant 49920 : i32
    %dma_start3A_55 = tpu.memref_slice %dma_start3A_53[%dma_start3A_54] : memref<100001xf32, #tpu.memory_space<hbm>> -> memref<50048xf32, #tpu.memory_space<hbm>>
    tpu.enqueue_dma source(%dma_start3A_55 : memref<50048xf32, #tpu.memory_space<hbm>>) target(%dma_start3A_50 : memref<50048xf32, #tpu.memory_space<vmem>>) target_semaphore(%arg11 : memref<!tpu.dma_semaphore, #tpu.memory_space<semaphore_mem>>)
    %dma_start3A_56 = arith.constant 50048 : i32
    %dma_start3A_57 = tpu.memref_slice %arg7[%dma_start3A_56] : memref<50176xf32, #tpu.memory_space<vmem>> -> memref<128xf32, #tpu.memory_space<vmem>>
    %dma_start3A_58 = arith.constant 0 : i32
    %dma_start3A_59 = tpu.memref_slice %arg4[%select_n3A, %select_n3A_32, %dma_start3A_58] : memref<26x32x128xf32, #tpu.memory_space<hbm>> -> memref<1x1x128xf32, #tpu.memory_space<hbm>>
    %dma_start3A_60 = tpu.memref_squeeze %dma_start3A_59 : memref<1x1x128xf32, #tpu.memory_space<hbm>> -> memref<128xf32, #tpu.memory_space<hbm>>
    %dma_start3A_61 = arith.constant 50048 : i32
    %dma_start3A_62 = tpu.memref_slice %arg7[%dma_start3A_61] : memref<50176xf32, #tpu.memory_space<vmem>> -> memref<128xf32, #tpu.memory_space<vmem>>
    %dma_start3A_63 = arith.constant 0 : i32
    %dma_start3A_64 = tpu.memref_slice %arg4[%select_n3A, %select_n3A_32, %dma_start3A_63] : memref<26x32x128xf32, #tpu.memory_space<hbm>> -> memref<1x1x128xf32, #tpu.memory_space<hbm>>
    %dma_start3A_65 = tpu.memref_squeeze %dma_start3A_64 : memref<1x1x128xf32, #tpu.memory_space<hbm>> -> memref<128xf32, #tpu.memory_space<hbm>>
    tpu.enqueue_dma source(%dma_start3A_65 : memref<128xf32, #tpu.memory_space<hbm>>) target(%dma_start3A_62 : memref<128xf32, #tpu.memory_space<vmem>>) target_semaphore(%arg11 : memref<!tpu.dma_semaphore, #tpu.memory_space<semaphore_mem>>)
    %scan3A = arith.constant 0 : i32
    %scan3A_66 = arith.constant 0 : i32
    %scan3A_67 = arith.constant 26 : i32
    %scan3A_68 = arith.addi %scan3A_66, %scan3A_67 : i32
    %scan3A_69 = arith.constant 1 : i32
    scf.for %scan3A_71 = %scan3A_66 to %scan3A_68 step %scan3A_69  : i32 {
      %add3A_72 = arith.addi %mul3A_2, %scan3A_71 : i32
      %jit3A_73 = arith.constant 32 : i32
      %div3A_74 = arith.divsi %add3A_72, %jit3A_73 : i32
      %sign3A_75 = arith.constant 0 : i32
      %sign3A_76 = arith.cmpi sgt, %add3A_72, %sign3A_75 : i32
      %sign3A_77 = arith.extui %sign3A_76 : i1 to i32
      %sign3A_78 = arith.constant 0 : i32
      %sign3A_79 = arith.cmpi slt, %add3A_72, %sign3A_78 : i32
      %sign3A_80 = arith.extui %sign3A_79 : i1 to i32
      %sign3A_81 = arith.subi %sign3A_77, %sign3A_80 : i32
      %sign3A_82 = arith.constant 0 : i32
      %sign3A_83 = arith.cmpi sgt, %jit3A_73, %sign3A_82 : i32
      %sign3A_84 = arith.extui %sign3A_83 : i1 to i32
      %sign3A_85 = arith.constant 0 : i32
      %sign3A_86 = arith.cmpi slt, %jit3A_73, %sign3A_85 : i32
      %sign3A_87 = arith.extui %sign3A_86 : i1 to i32
      %sign3A_88 = arith.subi %sign3A_84, %sign3A_87 : i32
      %ne3A_89 = arith.cmpi ne, %sign3A_81, %sign3A_88 : i32
      %rem3A_90 = arith.remsi %add3A_72, %jit3A_73 : i32
      %ne3A_91 = arith.constant 0 : i32
      %ne3A_92 = arith.cmpi ne, %rem3A_90, %ne3A_91 : i32
      %and3A_93 = arith.andi %ne3A_89, %ne3A_92 : i1
      %sub3A_94 = arith.constant 1 : i32
      %sub3A_95 = arith.subi %div3A_74, %sub3A_94 : i32
      %select_n3A_96 = arith.select %and3A_93, %sub3A_95, %div3A_74 : i32
      %jit3A_97 = arith.constant 32 : i32
      %eq3A_98 = arith.constant 0 : i32
      %eq3A_99 = arith.cmpi eq, %jit3A_97, %eq3A_98 : i32
      %jit3A_100 = arith.constant 1 : i32
      %select_n3A_101 = arith.select %eq3A_99, %jit3A_100, %jit3A_97 : i32
      %rem3A_102 = arith.remsi %add3A_72, %select_n3A_101 : i32
      %ne3A_103 = arith.constant 0 : i32
      %ne3A_104 = arith.cmpi ne, %rem3A_102, %ne3A_103 : i32
      %lt3A_105 = arith.constant 0 : i32
      %lt3A_106 = arith.cmpi slt, %rem3A_102, %lt3A_105 : i32
      %lt3A_107 = arith.constant 0 : i32
      %lt3A_108 = arith.cmpi slt, %select_n3A_101, %lt3A_107 : i32
      %ne3A_109 = arith.xori %lt3A_106, %lt3A_108 : i1
      %and3A_110 = arith.andi %ne3A_109, %ne3A_104 : i1
      %add3A_111 = arith.addi %rem3A_102, %select_n3A_101 : i32
      %select_n3A_112 = arith.select %and3A_110, %add3A_111, %rem3A_102 : i32
      %add3A_113 = arith.constant 1 : i32
      %add3A_114 = arith.addi %add3A_72, %add3A_113 : i32
      %jit3A_115 = arith.constant 32 : i32
      %div3A_116 = arith.divsi %add3A_114, %jit3A_115 : i32
      %sign3A_117 = arith.constant 0 : i32
      %sign3A_118 = arith.cmpi sgt, %add3A_114, %sign3A_117 : i32
      %sign3A_119 = arith.extui %sign3A_118 : i1 to i32
      %sign3A_120 = arith.constant 0 : i32
      %sign3A_121 = arith.cmpi slt, %add3A_114, %sign3A_120 : i32
      %sign3A_122 = arith.extui %sign3A_121 : i1 to i32
      %sign3A_123 = arith.subi %sign3A_119, %sign3A_122 : i32
      %sign3A_124 = arith.constant 0 : i32
      %sign3A_125 = arith.cmpi sgt, %jit3A_115, %sign3A_124 : i32
      %sign3A_126 = arith.extui %sign3A_125 : i1 to i32
      %sign3A_127 = arith.constant 0 : i32
      %sign3A_128 = arith.cmpi slt, %jit3A_115, %sign3A_127 : i32
      %sign3A_129 = arith.extui %sign3A_128 : i1 to i32
      %sign3A_130 = arith.subi %sign3A_126, %sign3A_129 : i32
      %ne3A_131 = arith.cmpi ne, %sign3A_123, %sign3A_130 : i32
      %rem3A_132 = arith.remsi %add3A_114, %jit3A_115 : i32
      %ne3A_133 = arith.constant 0 : i32
      %ne3A_134 = arith.cmpi ne, %rem3A_132, %ne3A_133 : i32
      %and3A_135 = arith.andi %ne3A_131, %ne3A_134 : i1
      %sub3A_136 = arith.constant 1 : i32
      %sub3A_137 = arith.subi %div3A_116, %sub3A_136 : i32
      %select_n3A_138 = arith.select %and3A_135, %sub3A_137, %div3A_116 : i32
      %jit3A_139 = arith.constant 32 : i32
      %eq3A_140 = arith.constant 0 : i32
      %eq3A_141 = arith.cmpi eq, %jit3A_139, %eq3A_140 : i32
      %jit3A_142 = arith.constant 1 : i32
      %select_n3A_143 = arith.select %eq3A_141, %jit3A_142, %jit3A_139 : i32
      %rem3A_144 = arith.remsi %add3A_114, %select_n3A_143 : i32
      %ne3A_145 = arith.constant 0 : i32
      %ne3A_146 = arith.cmpi ne, %rem3A_144, %ne3A_145 : i32
      %lt3A_147 = arith.constant 0 : i32
      %lt3A_148 = arith.cmpi slt, %rem3A_144, %lt3A_147 : i32
      %lt3A_149 = arith.constant 0 : i32
      %lt3A_150 = arith.cmpi slt, %select_n3A_143, %lt3A_149 : i32
      %ne3A_151 = arith.xori %lt3A_148, %lt3A_150 : i1
      %and3A_152 = arith.andi %ne3A_151, %ne3A_146 : i1
      %add3A_153 = arith.addi %rem3A_144, %select_n3A_143 : i32
      %select_n3A_154 = arith.select %and3A_152, %add3A_153, %rem3A_144 : i32
      %eq3A_155 = arith.constant 0 : i32
      %eq3A_156 = arith.cmpi eq, %select_n3A_112, %eq3A_155 : i32
      %gt3A = arith.constant 0 : i32
      %gt3A_157 = arith.cmpi sgt, %scan3A_71, %gt3A : i32
      %and3A_158 = arith.andi %eq3A_156, %gt3A_157 : i1
      %convert_element_type3A = arith.extui %and3A_158 : i1 to i32
      %cond3A = arith.constant 0 : i32
      %cond3A_159 = arith.cmpi ne, %convert_element_type3A, %cond3A : i32
      scf.if %cond3A_159 {
        "tpu.region"() ({
          %run_scoped3A = tpu.sem_alloc : memref<!tpu.dma_semaphore, #tpu.memory_space<semaphore_mem>>
          %dma_start3A_215 = arith.constant 0 : i32
          %dma_start3A_216 = tpu.memref_slice %arg2[%select_n3A_96, %dma_start3A_215] : memref<26x16384xi32, #tpu.memory_space<hbm>> -> memref<1x16384xi32, #tpu.memory_space<hbm>>
          %dma_start3A_217 = tpu.memref_squeeze %dma_start3A_216 : memref<1x16384xi32, #tpu.memory_space<hbm>> -> memref<16384xi32, #tpu.memory_space<hbm>>
          %dma_start3A_218 = arith.constant 0 : i32
          %dma_start3A_219 = tpu.memref_slice %arg2[%select_n3A_96, %dma_start3A_218] : memref<26x16384xi32, #tpu.memory_space<hbm>> -> memref<1x16384xi32, #tpu.memory_space<hbm>>
          %dma_start3A_220 = tpu.memref_squeeze %dma_start3A_219 : memref<1x16384xi32, #tpu.memory_space<hbm>> -> memref<16384xi32, #tpu.memory_space<hbm>>
          tpu.enqueue_dma source(%dma_start3A_220 : memref<16384xi32, #tpu.memory_space<hbm>>) target(%arg8 : memref<16384xi32, #tpu.memory_space<vmem>>) target_semaphore(%run_scoped3A : memref<!tpu.dma_semaphore, #tpu.memory_space<semaphore_mem>>)
          %dma_wait3A_221 = arith.constant 0 : i32
          %dma_wait3A_222 = tpu.memref_slice %arg2[%select_n3A_96, %dma_wait3A_221] : memref<26x16384xi32, #tpu.memory_space<hbm>> -> memref<1x16384xi32, #tpu.memory_space<hbm>>
          %dma_wait3A_223 = tpu.memref_squeeze %dma_wait3A_222 : memref<1x16384xi32, #tpu.memory_space<hbm>> -> memref<16384xi32, #tpu.memory_space<hbm>>
          %dma_wait3A_224 = arith.constant 0 : i32
          %dma_wait3A_225 = tpu.memref_slice %arg2[%select_n3A_96, %dma_wait3A_224] : memref<26x16384xi32, #tpu.memory_space<hbm>> -> memref<1x16384xi32, #tpu.memory_space<hbm>>
          %dma_wait3A_226 = tpu.memref_squeeze %dma_wait3A_225 : memref<1x16384xi32, #tpu.memory_space<hbm>> -> memref<16384xi32, #tpu.memory_space<hbm>>
          tpu.wait_dma2 semaphore(%run_scoped3A : memref<!tpu.dma_semaphore, #tpu.memory_space<semaphore_mem>>) src(%dma_wait3A_226 : memref<16384xi32, #tpu.memory_space<hbm>>) dst(%arg8 : memref<16384xi32, #tpu.memory_space<vmem>>)
          tpu.yield
        }) : () -> ()
      } else {
      }
      %dma_wait3A = arith.constant 0 : i32
      %dma_wait3A_160 = tpu.memref_slice %arg3[%select_n3A_96, %select_n3A_112, %dma_wait3A] : memref<26x32x100001xf32, #tpu.memory_space<hbm>> -> memref<1x1x100001xf32, #tpu.memory_space<hbm>>
      %dma_wait3A_161 = tpu.memref_squeeze %dma_wait3A_160 : memref<1x1x100001xf32, #tpu.memory_space<hbm>> -> memref<100001xf32, #tpu.memory_space<hbm>>
      %dma_wait3A_162 = arith.constant 0 : i32
      %dma_wait3A_163 = tpu.memref_slice %dma_wait3A_161[%dma_wait3A_162] : memref<100001xf32, #tpu.memory_space<hbm>> -> memref<50048xf32, #tpu.memory_space<hbm>>
      %dma_wait3A_164 = arith.constant 0 : i32
      %dma_wait3A_165 = tpu.memref_slice %arg3[%select_n3A_96, %select_n3A_112, %dma_wait3A_164] : memref<26x32x100001xf32, #tpu.memory_space<hbm>> -> memref<1x1x100001xf32, #tpu.memory_space<hbm>>
      %dma_wait3A_166 = tpu.memref_squeeze %dma_wait3A_165 : memref<1x1x100001xf32, #tpu.memory_space<hbm>> -> memref<100001xf32, #tpu.memory_space<hbm>>
      %dma_wait3A_167 = arith.constant 0 : i32
      %dma_wait3A_168 = tpu.memref_slice %dma_wait3A_166[%dma_wait3A_167] : memref<100001xf32, #tpu.memory_space<hbm>> -> memref<50048xf32, #tpu.memory_space<hbm>>
      tpu.wait_dma2 semaphore(%arg10 : memref<!tpu.dma_semaphore, #tpu.memory_space<semaphore_mem>>) src(%dma_wait3A_168 : memref<50048xf32, #tpu.memory_space<hbm>>) dst(%arg6 : memref<50048xf32, #tpu.memory_space<vmem>>)
      %parallel_loop3A = arith.constant 0 : i32
      %parallel_loop3A_169 = arith.constant 512 : i32
      %parallel_loop3A_170 = arith.constant 1 : i32
      scf.for %parallel_loop3A_215 = %parallel_loop3A to %parallel_loop3A_169 step %parallel_loop3A_170  : i32 {
        %parallel_loop3A_216 = arith.constant 16 : i32
        %parallel_loop3A_217 = arith.muli %parallel_loop3A_215, %parallel_loop3A_216 : i32
        %parallel_loop3A_218 = arith.constant 0 : i32
        %parallel_loop3A_219 = arith.addi %parallel_loop3A_218, %parallel_loop3A_217 : i32
        %parallel_loop3A_220 = arith.index_cast %parallel_loop3A_219 : i32 to index
        %parallel_loop3A_221 = tpu.vector_load %arg8[%parallel_loop3A_220] {strides = array<i32>} : memref<16384xi32, #tpu.memory_space<vmem>>, vector<16xi32>,
        %parallel_loop3A_222 = arith.constant 50048 : i32
        %parallel_loop3A_223 = vector.broadcast %parallel_loop3A_222 : i32 to vector<16xi32>
        %parallel_loop3A_224 = arith.cmpi slt, %parallel_loop3A_221, %parallel_loop3A_223 : vector<16xi32>
        %parallel_loop3A_225 = tpu.vector_load_idx %arg6[%parallel_loop3A_221] masked %parallel_loop3A_224 : memref<50048xf32, #tpu.memory_space<vmem>>[vector<16xi32>], vector<16xf32>, vector<16xi1>
        %parallel_loop3A_226 = arith.constant 16 : i32
        %parallel_loop3A_227 = arith.muli %parallel_loop3A_215, %parallel_loop3A_226 : i32
        %parallel_loop3A_228 = arith.index_cast %parallel_loop3A_227 : i32 to index
        %parallel_loop3A_229 = tpu.vector_load %arg9[%parallel_loop3A_228] {strides = array<i32>} : memref<8192xf32, #tpu.memory_space<vmem>>, vector<16xf32>,
        tpu.vector_store %arg9[%parallel_loop3A_228], %parallel_loop3A_225 {strides = array<i32>} : memref<8192xf32, #tpu.memory_space<vmem>>, vector<16xf32>,
      } {sc.loop_unroll_factor = 8 : i64, sc.parallel_access}
      %dma_wait3A_171 = arith.constant 0 : i32
      %dma_wait3A_172 = tpu.memref_slice %arg7[%dma_wait3A_171] : memref<50176xf32, #tpu.memory_space<vmem>> -> memref<50048xf32, #tpu.memory_space<vmem>>
      %dma_wait3A_173 = arith.constant 0 : i32
      %dma_wait3A_174 = tpu.memref_slice %arg3[%select_n3A_96, %select_n3A_112, %dma_wait3A_173] : memref<26x32x100001xf32, #tpu.memory_space<hbm>> -> memref<1x1x100001xf32, #tpu.memory_space<hbm>>
      %dma_wait3A_175 = tpu.memref_squeeze %dma_wait3A_174 : memref<1x1x100001xf32, #tpu.memory_space<hbm>> -> memref<100001xf32, #tpu.memory_space<hbm>>
      %dma_wait3A_176 = arith.constant 49920 : i32
      %dma_wait3A_177 = tpu.memref_slice %dma_wait3A_175[%dma_wait3A_176] : memref<100001xf32, #tpu.memory_space<hbm>> -> memref<50048xf32, #tpu.memory_space<hbm>>
      %dma_wait3A_178 = arith.constant 0 : i32
      %dma_wait3A_179 = tpu.memref_slice %arg7[%dma_wait3A_178] : memref<50176xf32, #tpu.memory_space<vmem>> -> memref<50048xf32, #tpu.memory_space<vmem>>
      %dma_wait3A_180 = arith.constant 0 : i32
      %dma_wait3A_181 = tpu.memref_slice %arg3[%select_n3A_96, %select_n3A_112, %dma_wait3A_180] : memref<26x32x100001xf32, #tpu.memory_space<hbm>> -> memref<1x1x100001xf32, #tpu.memory_space<hbm>>
      %dma_wait3A_182 = tpu.memref_squeeze %dma_wait3A_181 : memref<1x1x100001xf32, #tpu.memory_space<hbm>> -> memref<100001xf32, #tpu.memory_space<hbm>>
      %dma_wait3A_183 = arith.constant 49920 : i32
      %dma_wait3A_184 = tpu.memref_slice %dma_wait3A_182[%dma_wait3A_183] : memref<100001xf32, #tpu.memory_space<hbm>> -> memref<50048xf32, #tpu.memory_space<hbm>>
      tpu.wait_dma2 semaphore(%arg11 : memref<!tpu.dma_semaphore, #tpu.memory_space<semaphore_mem>>) src(%dma_wait3A_184 : memref<50048xf32, #tpu.memory_space<hbm>>) dst(%dma_wait3A_179 : memref<50048xf32, #tpu.memory_space<vmem>>)
      %dma_wait3A_185 = arith.constant 50048 : i32
      %dma_wait3A_186 = tpu.memref_slice %arg7[%dma_wait3A_185] : memref<50176xf32, #tpu.memory_space<vmem>> -> memref<128xf32, #tpu.memory_space<vmem>>
      %dma_wait3A_187 = arith.constant 0 : i32
      %dma_wait3A_188 = tpu.memref_slice %arg4[%select_n3A_96, %select_n3A_112, %dma_wait3A_187] : memref<26x32x128xf32, #tpu.memory_space<hbm>> -> memref<1x1x128xf32, #tpu.memory_space<hbm>>
      %dma_wait3A_189 = tpu.memref_squeeze %dma_wait3A_188 : memref<1x1x128xf32, #tpu.memory_space<hbm>> -> memref<128xf32, #tpu.memory_space<hbm>>
      %dma_wait3A_190 = arith.constant 50048 : i32
      %dma_wait3A_191 = tpu.memref_slice %arg7[%dma_wait3A_190] : memref<50176xf32, #tpu.memory_space<vmem>> -> memref<128xf32, #tpu.memory_space<vmem>>
      %dma_wait3A_192 = arith.constant 0 : i32
      %dma_wait3A_193 = tpu.memref_slice %arg4[%select_n3A_96, %select_n3A_112, %dma_wait3A_192] : memref<26x32x128xf32, #tpu.memory_space<hbm>> -> memref<1x1x128xf32, #tpu.memory_space<hbm>>
      %dma_wait3A_194 = tpu.memref_squeeze %dma_wait3A_193 : memref<1x1x128xf32, #tpu.memory_space<hbm>> -> memref<128xf32, #tpu.memory_space<hbm>>
      tpu.wait_dma2 semaphore(%arg11 : memref<!tpu.dma_semaphore, #tpu.memory_space<semaphore_mem>>) src(%dma_wait3A_194 : memref<128xf32, #tpu.memory_space<hbm>>) dst(%dma_wait3A_191 : memref<128xf32, #tpu.memory_space<vmem>>)
      %iota3A = tpu.iota {dimensions = array<i32: 0>} : vector<16xi32>
      %parallel_loop3A_195 = arith.constant 0 : i32
      %parallel_loop3A_196 = arith.constant 512 : i32
      %parallel_loop3A_197 = arith.constant 1 : i32
      scf.for %parallel_loop3A_215 = %parallel_loop3A_195 to %parallel_loop3A_196 step %parallel_loop3A_197  : i32 {
        %parallel_loop3A_216 = arith.constant 16 : i32
        %parallel_loop3A_217 = arith.muli %parallel_loop3A_215, %parallel_loop3A_216 : i32
        %parallel_loop3A_218 = arith.constant 0 : i32
        %parallel_loop3A_219 = arith.addi %parallel_loop3A_218, %parallel_loop3A_217 : i32
        %parallel_loop3A_220 = arith.index_cast %parallel_loop3A_219 : i32 to index
        %parallel_loop3A_221 = tpu.vector_load %arg8[%parallel_loop3A_220] {strides = array<i32>} : memref<16384xi32, #tpu.memory_space<vmem>>, vector<16xi32>,
        %parallel_loop3A_222 = arith.constant 50048 : i32
        %parallel_loop3A_223 = vector.broadcast %parallel_loop3A_222 : i32 to vector<16xi32>
        %parallel_loop3A_224 = arith.cmpi sge, %parallel_loop3A_221, %parallel_loop3A_223 : vector<16xi32>
        %parallel_loop3A_225 = arith.constant 99968 : i32
        %parallel_loop3A_226 = vector.broadcast %parallel_loop3A_225 : i32 to vector<16xi32>
        %parallel_loop3A_227 = arith.cmpi slt, %parallel_loop3A_221, %parallel_loop3A_226 : vector<16xi32>
        %parallel_loop3A_228 = arith.constant 49920 : i32
        %parallel_loop3A_229 = arith.constant 49824 : i32
        %parallel_loop3A_230 = vector.broadcast %parallel_loop3A_228 : i32 to vector<16xi32>
        %parallel_loop3A_231 = vector.broadcast %parallel_loop3A_229 : i32 to vector<16xi32>
        %parallel_loop3A_232 = arith.select %parallel_loop3A_227, %parallel_loop3A_230, %parallel_loop3A_231 : vector<16xi1>, vector<16xi32>
        %parallel_loop3A_233 = arith.subi %parallel_loop3A_221, %parallel_loop3A_232 : vector<16xi32>
        %parallel_loop3A_234 = tpu.vector_load_idx %arg7[%parallel_loop3A_233] masked %parallel_loop3A_224 : memref<50176xf32, #tpu.memory_space<vmem>>[vector<16xi32>], vector<16xf32>, vector<16xi1>
        %parallel_loop3A_235 = arith.constant 16 : i32
        %parallel_loop3A_236 = arith.muli %parallel_loop3A_215, %parallel_loop3A_235 : i32
        %parallel_loop3A_237 = vector.broadcast %parallel_loop3A_236 : i32 to vector<16xi32>
        %parallel_loop3A_238 = arith.addi %parallel_loop3A_237, %iota3A : vector<16xi32>
        tpu.vector_store_idx %arg9[%parallel_loop3A_238], %parallel_loop3A_234 masked %parallel_loop3A_224 : memref<8192xf32, #tpu.memory_space<vmem>>[vector<16xi32>], vector<16xf32>, vector<16xi1>
      } {sc.loop_unroll_factor = 8 : i64, sc.parallel_access}
      "tpu.region"() ({
        %run_scoped3A = tpu.sem_alloc : memref<!tpu.dma_semaphore, #tpu.memory_space<semaphore_mem>>
        %dma_start3A_215 = arith.constant 0 : i32
        %dma_start3A_216 = tpu.memref_slice %arg5[%select_n3A_96, %select_n3A_112, %dma_start3A_215] : memref<26x32x16384xf32, #tpu.memory_space<hbm>> -> memref<1x1x16384xf32, #tpu.memory_space<hbm>>
        %dma_start3A_217 = tpu.memref_squeeze %dma_start3A_216 : memref<1x1x16384xf32, #tpu.memory_space<hbm>> -> memref<16384xf32, #tpu.memory_space<hbm>>
        %dma_start3A_218 = arith.constant 0 : i32
        %dma_start3A_219 = tpu.memref_slice %dma_start3A_217[%dma_start3A_218] : memref<16384xf32, #tpu.memory_space<hbm>> -> memref<8192xf32, #tpu.memory_space<hbm>>
        %dma_start3A_220 = arith.constant 0 : i32
        %dma_start3A_221 = tpu.memref_slice %arg5[%select_n3A_96, %select_n3A_112, %dma_start3A_220] : memref<26x32x16384xf32, #tpu.memory_space<hbm>> -> memref<1x1x16384xf32, #tpu.memory_space<hbm>>
        %dma_start3A_222 = tpu.memref_squeeze %dma_start3A_221 : memref<1x1x16384xf32, #tpu.memory_space<hbm>> -> memref<16384xf32, #tpu.memory_space<hbm>>
        %dma_start3A_223 = arith.constant 0 : i32
        %dma_start3A_224 = tpu.memref_slice %dma_start3A_222[%dma_start3A_223] : memref<16384xf32, #tpu.memory_space<hbm>> -> memref<8192xf32, #tpu.memory_space<hbm>>
        tpu.enqueue_dma source(%arg9 : memref<8192xf32, #tpu.memory_space<vmem>>) target(%dma_start3A_224 : memref<8192xf32, #tpu.memory_space<hbm>>) target_semaphore(%run_scoped3A : memref<!tpu.dma_semaphore, #tpu.memory_space<semaphore_mem>>)
        %dma_wait3A_225 = arith.constant 0 : i32
        %dma_wait3A_226 = tpu.memref_slice %arg5[%select_n3A_96, %select_n3A_112, %dma_wait3A_225] : memref<26x32x16384xf32, #tpu.memory_space<hbm>> -> memref<1x1x16384xf32, #tpu.memory_space<hbm>>
        %dma_wait3A_227 = tpu.memref_squeeze %dma_wait3A_226 : memref<1x1x16384xf32, #tpu.memory_space<hbm>> -> memref<16384xf32, #tpu.memory_space<hbm>>
        %dma_wait3A_228 = arith.constant 0 : i32
        %dma_wait3A_229 = tpu.memref_slice %dma_wait3A_227[%dma_wait3A_228] : memref<16384xf32, #tpu.memory_space<hbm>> -> memref<8192xf32, #tpu.memory_space<hbm>>
        %dma_wait3A_230 = arith.constant 0 : i32
        %dma_wait3A_231 = tpu.memref_slice %arg5[%select_n3A_96, %select_n3A_112, %dma_wait3A_230] : memref<26x32x16384xf32, #tpu.memory_space<hbm>> -> memref<1x1x16384xf32, #tpu.memory_space<hbm>>
        %dma_wait3A_232 = tpu.memref_squeeze %dma_wait3A_231 : memref<1x1x16384xf32, #tpu.memory_space<hbm>> -> memref<16384xf32, #tpu.memory_space<hbm>>
        %dma_wait3A_233 = arith.constant 0 : i32
        %dma_wait3A_234 = tpu.memref_slice %dma_wait3A_232[%dma_wait3A_233] : memref<16384xf32, #tpu.memory_space<hbm>> -> memref<8192xf32, #tpu.memory_space<hbm>>
        tpu.wait_dma2 semaphore(%run_scoped3A : memref<!tpu.dma_semaphore, #tpu.memory_space<semaphore_mem>>) src(%arg9 : memref<8192xf32, #tpu.memory_space<vmem>>) dst(%dma_wait3A_234 : memref<8192xf32, #tpu.memory_space<hbm>>)
        tpu.yield
      }) : () -> ()
      %parallel_loop3A_198 = arith.constant 0 : i32
      %parallel_loop3A_199 = arith.constant 512 : i32
      %parallel_loop3A_200 = arith.constant 1 : i32
      scf.for %parallel_loop3A_215 = %parallel_loop3A_198 to %parallel_loop3A_199 step %parallel_loop3A_200  : i32 {
        %parallel_loop3A_216 = arith.constant 16 : i32
        %parallel_loop3A_217 = arith.muli %parallel_loop3A_215, %parallel_loop3A_216 : i32
        %parallel_loop3A_218 = arith.constant 8192 : i32
        %parallel_loop3A_219 = arith.addi %parallel_loop3A_218, %parallel_loop3A_217 : i32
        %parallel_loop3A_220 = arith.index_cast %parallel_loop3A_219 : i32 to index
        %parallel_loop3A_221 = tpu.vector_load %arg8[%parallel_loop3A_220] {strides = array<i32>} : memref<16384xi32, #tpu.memory_space<vmem>>, vector<16xi32>,
        %parallel_loop3A_222 = arith.constant 50048 : i32
        %parallel_loop3A_223 = vector.broadcast %parallel_loop3A_222 : i32 to vector<16xi32>
        %parallel_loop3A_224 = arith.cmpi slt, %parallel_loop3A_221, %parallel_loop3A_223 : vector<16xi32>
        %parallel_loop3A_225 = tpu.vector_load_idx %arg6[%parallel_loop3A_221] masked %parallel_loop3A_224 : memref<50048xf32, #tpu.memory_space<vmem>>[vector<16xi32>], vector<16xf32>, vector<16xi1>
        %parallel_loop3A_226 = arith.constant 16 : i32
        %parallel_loop3A_227 = arith.muli %parallel_loop3A_215, %parallel_loop3A_226 : i32
        %parallel_loop3A_228 = arith.index_cast %parallel_loop3A_227 : i32 to index
        %parallel_loop3A_229 = tpu.vector_load %arg9[%parallel_loop3A_228] {strides = array<i32>} : memref<8192xf32, #tpu.memory_space<vmem>>, vector<16xf32>,
        tpu.vector_store %arg9[%parallel_loop3A_228], %parallel_loop3A_225 {strides = array<i32>} : memref<8192xf32, #tpu.memory_space<vmem>>, vector<16xf32>,
      } {sc.loop_unroll_factor = 8 : i64, sc.parallel_access}
      %lt3A_201 = arith.constant 25 : i32
      %lt3A_202 = arith.cmpi slt, %scan3A_71, %lt3A_201 : i32
      %convert_element_type3A_203 = arith.extui %lt3A_202 : i1 to i32
      %cond3A_204 = arith.constant 0 : i32
      %cond3A_205 = arith.cmpi ne, %convert_element_type3A_203, %cond3A_204 : i32
      scf.if %cond3A_205 {
        %dma_start3A_215 = arith.constant 0 : i32
        %dma_start3A_216 = tpu.memref_slice %arg3[%select_n3A_138, %select_n3A_154, %dma_start3A_215] : memref<26x32x100001xf32, #tpu.memory_space<hbm>> -> memref<1x1x100001xf32, #tpu.memory_space<hbm>>
        %dma_start3A_217 = tpu.memref_squeeze %dma_start3A_216 : memref<1x1x100001xf32, #tpu.memory_space<hbm>> -> memref<100001xf32, #tpu.memory_space<hbm>>
        %dma_start3A_218 = arith.constant 0 : i32
        %dma_start3A_219 = tpu.memref_slice %dma_start3A_217[%dma_start3A_218] : memref<100001xf32, #tpu.memory_space<hbm>> -> memref<50048xf32, #tpu.memory_space<hbm>>
        %dma_start3A_220 = arith.constant 0 : i32
        %dma_start3A_221 = tpu.memref_slice %arg3[%select_n3A_138, %select_n3A_154, %dma_start3A_220] : memref<26x32x100001xf32, #tpu.memory_space<hbm>> -> memref<1x1x100001xf32, #tpu.memory_space<hbm>>
        %dma_start3A_222 = tpu.memref_squeeze %dma_start3A_221 : memref<1x1x100001xf32, #tpu.memory_space<hbm>> -> memref<100001xf32, #tpu.memory_space<hbm>>
        %dma_start3A_223 = arith.constant 0 : i32
        %dma_start3A_224 = tpu.memref_slice %dma_start3A_222[%dma_start3A_223] : memref<100001xf32, #tpu.memory_space<hbm>> -> memref<50048xf32, #tpu.memory_space<hbm>>
        tpu.enqueue_dma source(%dma_start3A_224 : memref<50048xf32, #tpu.memory_space<hbm>>) target(%arg6 : memref<50048xf32, #tpu.memory_space<vmem>>) target_semaphore(%arg10 : memref<!tpu.dma_semaphore, #tpu.memory_space<semaphore_mem>>)
      } else {
      }
      %iota3A_206 = tpu.iota {dimensions = array<i32: 0>} : vector<16xi32>
      %parallel_loop3A_207 = arith.constant 0 : i32
      %parallel_loop3A_208 = arith.constant 512 : i32
      %parallel_loop3A_209 = arith.constant 1 : i32
      scf.for %parallel_loop3A_215 = %parallel_loop3A_207 to %parallel_loop3A_208 step %parallel_loop3A_209  : i32 {
        %parallel_loop3A_216 = arith.constant 16 : i32
        %parallel_loop3A_217 = arith.muli %parallel_loop3A_215, %parallel_loop3A_216 : i32
        %parallel_loop3A_218 = arith.constant 8192 : i32
        %parallel_loop3A_219 = arith.addi %parallel_loop3A_218, %parallel_loop3A_217 : i32
        %parallel_loop3A_220 = arith.index_cast %parallel_loop3A_219 : i32 to index
        %parallel_loop3A_221 = tpu.vector_load %arg8[%parallel_loop3A_220] {strides = array<i32>} : memref<16384xi32, #tpu.memory_space<vmem>>, vector<16xi32>,
        %parallel_loop3A_222 = arith.constant 50048 : i32
        %parallel_loop3A_223 = vector.broadcast %parallel_loop3A_222 : i32 to vector<16xi32>
        %parallel_loop3A_224 = arith.cmpi sge, %parallel_loop3A_221, %parallel_loop3A_223 : vector<16xi32>
        %parallel_loop3A_225 = arith.constant 99968 : i32
        %parallel_loop3A_226 = vector.broadcast %parallel_loop3A_225 : i32 to vector<16xi32>
        %parallel_loop3A_227 = arith.cmpi slt, %parallel_loop3A_221, %parallel_loop3A_226 : vector<16xi32>
        %parallel_loop3A_228 = arith.constant 49920 : i32
        %parallel_loop3A_229 = arith.constant 49824 : i32
        %parallel_loop3A_230 = vector.broadcast %parallel_loop3A_228 : i32 to vector<16xi32>
        %parallel_loop3A_231 = vector.broadcast %parallel_loop3A_229 : i32 to vector<16xi32>
        %parallel_loop3A_232 = arith.select %parallel_loop3A_227, %parallel_loop3A_230, %parallel_loop3A_231 : vector<16xi1>, vector<16xi32>
        %parallel_loop3A_233 = arith.subi %parallel_loop3A_221, %parallel_loop3A_232 : vector<16xi32>
        %parallel_loop3A_234 = tpu.vector_load_idx %arg7[%parallel_loop3A_233] masked %parallel_loop3A_224 : memref<50176xf32, #tpu.memory_space<vmem>>[vector<16xi32>], vector<16xf32>, vector<16xi1>
        %parallel_loop3A_235 = arith.constant 16 : i32
        %parallel_loop3A_236 = arith.muli %parallel_loop3A_215, %parallel_loop3A_235 : i32
        %parallel_loop3A_237 = vector.broadcast %parallel_loop3A_236 : i32 to vector<16xi32>
        %parallel_loop3A_238 = arith.addi %parallel_loop3A_237, %iota3A_206 : vector<16xi32>
        tpu.vector_store_idx %arg9[%parallel_loop3A_238], %parallel_loop3A_234 masked %parallel_loop3A_224 : memref<8192xf32, #tpu.memory_space<vmem>>[vector<16xi32>], vector<16xf32>, vector<16xi1>
      } {sc.loop_unroll_factor = 8 : i64, sc.parallel_access}
      %lt3A_210 = arith.constant 25 : i32
      %lt3A_211 = arith.cmpi slt, %scan3A_71, %lt3A_210 : i32
      %convert_element_type3A_212 = arith.extui %lt3A_211 : i1 to i32
      %cond3A_213 = arith.constant 0 : i32
      %cond3A_214 = arith.cmpi ne, %convert_element_type3A_212, %cond3A_213 : i32
      scf.if %cond3A_214 {
        %dma_start3A_215 = arith.constant 0 : i32
        %dma_start3A_216 = tpu.memref_slice %arg7[%dma_start3A_215] : memref<50176xf32, #tpu.memory_space<vmem>> -> memref<50048xf32, #tpu.memory_space<vmem>>
        %dma_start3A_217 = arith.constant 0 : i32
        %dma_start3A_218 = tpu.memref_slice %arg3[%select_n3A_138, %select_n3A_154, %dma_start3A_217] : memref<26x32x100001xf32, #tpu.memory_space<hbm>> -> memref<1x1x100001xf32, #tpu.memory_space<hbm>>
        %dma_start3A_219 = tpu.memref_squeeze %dma_start3A_218 : memref<1x1x100001xf32, #tpu.memory_space<hbm>> -> memref<100001xf32, #tpu.memory_space<hbm>>
        %dma_start3A_220 = arith.constant 49920 : i32
        %dma_start3A_221 = tpu.memref_slice %dma_start3A_219[%dma_start3A_220] : memref<100001xf32, #tpu.memory_space<hbm>> -> memref<50048xf32, #tpu.memory_space<hbm>>
        %dma_start3A_222 = arith.constant 0 : i32
        %dma_start3A_223 = tpu.memref_slice %arg7[%dma_start3A_222] : memref<50176xf32, #tpu.memory_space<vmem>> -> memref<50048xf32, #tpu.memory_space<vmem>>
        %dma_start3A_224 = arith.constant 0 : i32
        %dma_start3A_225 = tpu.memref_slice %arg3[%select_n3A_138, %select_n3A_154, %dma_start3A_224] : memref<26x32x100001xf32, #tpu.memory_space<hbm>> -> memref<1x1x100001xf32, #tpu.memory_space<hbm>>
        %dma_start3A_226 = tpu.memref_squeeze %dma_start3A_225 : memref<1x1x100001xf32, #tpu.memory_space<hbm>> -> memref<100001xf32, #tpu.memory_space<hbm>>
        %dma_start3A_227 = arith.constant 49920 : i32
        %dma_start3A_228 = tpu.memref_slice %dma_start3A_226[%dma_start3A_227] : memref<100001xf32, #tpu.memory_space<hbm>> -> memref<50048xf32, #tpu.memory_space<hbm>>
        tpu.enqueue_dma source(%dma_start3A_228 : memref<50048xf32, #tpu.memory_space<hbm>>) target(%dma_start3A_223 : memref<50048xf32, #tpu.memory_space<vmem>>) target_semaphore(%arg11 : memref<!tpu.dma_semaphore, #tpu.memory_space<semaphore_mem>>)
        %dma_start3A_229 = arith.constant 50048 : i32
        %dma_start3A_230 = tpu.memref_slice %arg7[%dma_start3A_229] : memref<50176xf32, #tpu.memory_space<vmem>> -> memref<128xf32, #tpu.memory_space<vmem>>
        %dma_start3A_231 = arith.constant 0 : i32
        %dma_start3A_232 = tpu.memref_slice %arg4[%select_n3A_138, %select_n3A_154, %dma_start3A_231] : memref<26x32x128xf32, #tpu.memory_space<hbm>> -> memref<1x1x128xf32, #tpu.memory_space<hbm>>
        %dma_start3A_233 = tpu.memref_squeeze %dma_start3A_232 : memref<1x1x128xf32, #tpu.memory_space<hbm>> -> memref<128xf32, #tpu.memory_space<hbm>>
        %dma_start3A_234 = arith.constant 50048 : i32
        %dma_start3A_235 = tpu.memref_slice %arg7[%dma_start3A_234] : memref<50176xf32, #tpu.memory_space<vmem>> -> memref<128xf32, #tpu.memory_space<vmem>>
        %dma_start3A_236 = arith.constant 0 : i32
        %dma_start3A_237 = tpu.memref_slice %arg4[%select_n3A_138, %select_n3A_154, %dma_start3A_236] : memref<26x32x128xf32, #tpu.memory_space<hbm>> -> memref<1x1x128xf32, #tpu.memory_space<hbm>>
        %dma_start3A_238 = tpu.memref_squeeze %dma_start3A_237 : memref<1x1x128xf32, #tpu.memory_space<hbm>> -> memref<128xf32, #tpu.memory_space<hbm>>
        tpu.enqueue_dma source(%dma_start3A_238 : memref<128xf32, #tpu.memory_space<hbm>>) target(%dma_start3A_235 : memref<128xf32, #tpu.memory_space<vmem>>) target_semaphore(%arg11 : memref<!tpu.dma_semaphore, #tpu.memory_space<semaphore_mem>>)
      } else {
      }
      "tpu.region"() ({
        %run_scoped3A = tpu.sem_alloc : memref<!tpu.dma_semaphore, #tpu.memory_space<semaphore_mem>>
        %dma_start3A_215 = arith.constant 0 : i32
        %dma_start3A_216 = tpu.memref_slice %arg5[%select_n3A_96, %select_n3A_112, %dma_start3A_215] : memref<26x32x16384xf32, #tpu.memory_space<hbm>> -> memref<1x1x16384xf32, #tpu.memory_space<hbm>>
        %dma_start3A_217 = tpu.memref_squeeze %dma_start3A_216 : memref<1x1x16384xf32, #tpu.memory_space<hbm>> -> memref<16384xf32, #tpu.memory_space<hbm>>
        %dma_start3A_218 = arith.constant 8192 : i32
        %dma_start3A_219 = tpu.memref_slice %dma_start3A_217[%dma_start3A_218] : memref<16384xf32, #tpu.memory_space<hbm>> -> memref<8192xf32, #tpu.memory_space<hbm>>
        %dma_start3A_220 = arith.constant 0 : i32
        %dma_start3A_221 = tpu.memref_slice %arg5[%select_n3A_96, %select_n3A_112, %dma_start3A_220] : memref<26x32x16384xf32, #tpu.memory_space<hbm>> -> memref<1x1x16384xf32, #tpu.memory_space<hbm>>
        %dma_start3A_222 = tpu.memref_squeeze %dma_start3A_221 : memref<1x1x16384xf32, #tpu.memory_space<hbm>> -> memref<16384xf32, #tpu.memory_space<hbm>>
        %dma_start3A_223 = arith.constant 8192 : i32
        %dma_start3A_224 = tpu.memref_slice %dma_start3A_222[%dma_start3A_223] : memref<16384xf32, #tpu.memory_space<hbm>> -> memref<8192xf32, #tpu.memory_space<hbm>>
        tpu.enqueue_dma source(%arg9 : memref<8192xf32, #tpu.memory_space<vmem>>) target(%dma_start3A_224 : memref<8192xf32, #tpu.memory_space<hbm>>) target_semaphore(%run_scoped3A : memref<!tpu.dma_semaphore, #tpu.memory_space<semaphore_mem>>)
        %dma_wait3A_225 = arith.constant 0 : i32
        %dma_wait3A_226 = tpu.memref_slice %arg5[%select_n3A_96, %select_n3A_112, %dma_wait3A_225] : memref<26x32x16384xf32, #tpu.memory_space<hbm>> -> memref<1x1x16384xf32, #tpu.memory_space<hbm>>
        %dma_wait3A_227 = tpu.memref_squeeze %dma_wait3A_226 : memref<1x1x16384xf32, #tpu.memory_space<hbm>> -> memref<16384xf32, #tpu.memory_space<hbm>>
        %dma_wait3A_228 = arith.constant 8192 : i32
        %dma_wait3A_229 = tpu.memref_slice %dma_wait3A_227[%dma_wait3A_228] : memref<16384xf32, #tpu.memory_space<hbm>> -> memref<8192xf32, #tpu.memory_space<hbm>>
        %dma_wait3A_230 = arith.constant 0 : i32
        %dma_wait3A_231 = tpu.memref_slice %arg5[%select_n3A_96, %select_n3A_112, %dma_wait3A_230] : memref<26x32x16384xf32, #tpu.memory_space<hbm>> -> memref<1x1x16384xf32, #tpu.memory_space<hbm>>
        %dma_wait3A_232 = tpu.memref_squeeze %dma_wait3A_231 : memref<1x1x16384xf32, #tpu.memory_space<hbm>> -> memref<16384xf32, #tpu.memory_space<hbm>>
        %dma_wait3A_233 = arith.constant 8192 : i32
        %dma_wait3A_234 = tpu.memref_slice %dma_wait3A_232[%dma_wait3A_233] : memref<16384xf32, #tpu.memory_space<hbm>> -> memref<8192xf32, #tpu.memory_space<hbm>>
        tpu.wait_dma2 semaphore(%run_scoped3A : memref<!tpu.dma_semaphore, #tpu.memory_space<semaphore_mem>>) src(%arg9 : memref<8192xf32, #tpu.memory_space<vmem>>) dst(%dma_wait3A_234 : memref<8192xf32, #tpu.memory_space<hbm>>)
        tpu.yield
      }) : () -> ()
    }
    %scan3A_70 = arith.constant 26 : i32
    return
  }
}

</mosaic_0001>

<sc_bundles>
// kernel: kernel.3.cloned.1.call-start
scs
__scs_entry_jumppad:
0x0: {  	(pc) =	sbr.rel $0x88, $3  }
0x1: {  	(tag) =	ssettag $0x0;
	lr =	simm.s32 $0x1  }
0x2: {  	[smem:$0x3F9F] =	sst lr;
	_ =	strace $0xD0000000  }
0x3: {  	_ = 	snop  }
0x4: {  	_ = 	snop  }
0x5: {  	_ = 	snop  }
0x6: {  	_ = 	snop  }
0x7: {  	_ = 	snop  }
__scs_overlays_trampoline_lowered:
0x8: {  	[smem:$0x3FAE] =	sst s0  }
0x9: {  	[smem:$0x3FAF] =	sst s1  }
0xa: {  	[smem:$0x3FB0] =	sst s2  }
0xb: {  	[smem:$0x3FB1] =	sst s3  }
0xc: {  	[smem:$0x3FB2] =	sst s4  }
0xd: {  	[smem:$0x3FB3] =	sst s5  }
0xe: {  	[smem:$0x3FB4] =	sst s6  }
0xf: {  	[smem:$0x3FB5] =	sst s7  }
0x10: {  	[smem:$0x3FB6] =	sst s8  }
0x11: {  	[smem:$0x3FB7] =	sst s9;
	s0 =	simm.s32 @!p0 $0x0  }
0x12: {  	s1 =	sld [smem:$0x3F9D];
	s0 =	simm.s32 @p0 $0x1  }
0x13: {  	[smem:$0x3FB8] =	sst s0;
	s0 =	simm.s32 @!p1 $0x0  }
0x14: {  	s2 =	sld [smem:$0x3F9C];
	s0 =	simm.s32 @p1 $0x1  }
0x15: {  	[smem:$0x3FB9] =	sst s0;
	s0 =	simm.s32 @!p2 $0x0  }
0x16: {  	s3 =	sld [smem:$0x3FDB];
	s0 =	simm.s32 @p2 $0x1  }
0x17: {  	s4 =	simm.s32 $0x1BF5;
	[smem:$0x3FBB] =	sst s0  }
0x18: {  	s0 =	sld [smem:$0x3F9E];
	_ =	swait.ge [sflag:s4], $0x0  }
0x19: {  	s7 =	sld [smem:$0x3F9F]  }
0x1a: {  	s8 =	sadd.s32 $0xFFFFE003, lr  }
0x1b: {  	s9 =	sadd.s32 $0xFFFFFEF7, lr;
	s5 =	simm.s32 $0xFFFFFFFF;
	p2 =	slt.u32 s8, $0xFFFFF086  }
0x1c: {  	p1 =	slt.u32 s9, $0xF7A;
	s5 =	simm.s32 @!p2 $0x0  }
0x1d: {  	s5 =	simm.s32 @p1 $0x1;
	p0 =	seq.s32 s7, s2  }
0x1e: {  	s7 =	smul.u32 @!p0 $0xF7A, s2;
	p2 =	seq.s32 @!p0 s5, $0x0  }
0x1f: {  	s9 =	smul.u32 $0xF7A, s1;
	s8 =	simm.s32 @!p0 $0x1BF5;
	p2 =	por !p2, p0  }
0x20: {  	[sflag:s8] =	ssyncset.s32 @!p0 $0xFFFFF086;
	s6 =	sadd.s32 @!p0 s3, s7;
	s7 =	simm.s32 @!p0 $0x108  }
0x21: {  	s3 =	sadd.s32 s3, s9;
	s6 =	sadd.s32 @!p0 $0x88, s6;
	s7 =	simm.s32 @p2 $0x1082  }
0x22: {  	[simem:s7], [sflag:s8] =	dma.local @!p0 [hbm:s6], $0xF7A  }
0x23: {  	s9 =	sor.u32 $0xD0000000, s2;
	s6 =	simm.s32 $0x108;
	_ =	swait.ge @!p0 [sflag:s8], $0x0  }
0x24: {  	s3 =	sadd.s32 $0x88, s3;
	s6 =	simm.s32 @!p1 $0x1082;
	[sflag:s4] =	ssyncset.s32 $0xFFFFF086  }
0x25: {  	[simem:s6], [sflag:s4] =	dma.local [hbm:s3], $0xF7A  }
0x26: {  	[smem:$0x3F9F] =	sst s1;
	(tag) =	ssettag s2;
	_ =	strace s9  }
0x27: {  	s1 =	sld [smem:$0x3FAF]  }
0x28: {  	s2 =	sld [smem:$0x3FB0]  }
0x29: {  	s4 =	sld [smem:$0x3FB2]  }
0x2a: {  	p0 =	seq.s32 s5, $0x0;
	s5 =	sld [smem:$0x3FB3]  }
0x2b: {  	s6 =	sld [smem:$0x3FB4]  }
0x2c: {  	s7 =	sld [smem:$0x3FB5]  }
0x2d: {  	s3 =	simm.s32 $0x108;
	s8 =	sld [smem:$0x3FB6]  }
0x2e: {  	s3 =	simm.s32 @!p0 $0x1082;
	s9 =	sld [smem:$0x3FB7]  }
0x2f: {  	lr =	sadd.s32 s0, s3;
	s0 =	sld [smem:$0x3FAE]  }
0x30: {  	s3 =	sld [smem:$0x3FB1]  }
0x31: {  	[smem:$0x3FBA] =	sst s10  }
0x32: {  	s10 =	sld [smem:$0x3FB8];
	_ =	sdelay $0x3  }
0x33: {  	p0 =	seq.s32 s10, $0x1;
	s10 =	sld [smem:$0x3FBA];
	_ =	sdelay $0x3  }
0x34: {  	[smem:$0x3FBA] =	sst s10  }
0x35: {  	s10 =	sld [smem:$0x3FB9];
	_ =	sdelay $0x3  }
0x36: {  	p1 =	seq.s32 s10, $0x1;
	s10 =	sld [smem:$0x3FBA];
	_ =	sdelay $0x3  }
0x37: {  	[smem:$0x3FBA] =	sst s10  }
0x38: {  	s10 =	sld [smem:$0x3FBB]  }
0x39: {  	_ = 	snop;
	(pc) =	sbr.ind lr, $3  }
0x3a: {  	_ = 	snop  }
0x3b: {  	_ = 	snop  }
0x3c: {  	p2 =	seq.s32 s10, $0x1;
	s10 =	sld [smem:$0x3FBA]  }
0x3d: {  	_ =	shalt  }
0x3e: {  	_ =	shalt  }
0x3f: {  	_ =	shalt  }
0x40: {  	_ =	shalt  }
0x41: {  	_ =	shalt  }
0x42: {  	_ =	shalt  }
0x43: {  	_ =	shalt  }
0x44: {  	_ =	shalt  }
0x45: {  	_ =	shalt  }
0x46: {  	_ =	shalt  }
0x47: {  	_ =	shalt  }
0x48: {  	_ =	shalt  }
0x49: {  	_ =	shalt  }
0x4a: {  	_ =	shalt  }
0x4b: {  	_ =	shalt  }
0x4c: {  	_ =	shalt  }
0x4d: {  	_ =	shalt  }
0x4e: {  	_ =	shalt  }
0x4f: {  	_ =	shalt  }
0x50: {  	_ =	shalt  }
0x51: {  	_ =	shalt  }
0x52: {  	_ =	shalt  }
0x53: {  	_ =	shalt  }
0x54: {  	_ =	shalt  }
0x55: {  	_ =	shalt  }
0x56: {  	_ =	shalt  }
0x57: {  	_ =	shalt  }
0x58: {  	_ =	shalt  }
0x59: {  	_ =	shalt  }
0x5a: {  	_ =	shalt  }
0x5b: {  	_ =	shalt  }
0x5c: {  	_ =	shalt  }
0x5d: {  	_ =	shalt  }
0x5e: {  	_ =	shalt  }
0x5f: {  	_ =	shalt  }
0x60: {  	_ =	shalt  }
0x61: {  	_ =	shalt  }
0x62: {  	_ =	shalt  }
0x63: {  	_ =	shalt  }
0x64: {  	_ =	shalt  }
0x65: {  	_ =	shalt  }
0x66: {  	_ =	shalt  }
0x67: {  	_ =	shalt  }
0x68: {  	_ =	shalt  }
0x69: {  	_ =	shalt  }
0x6a: {  	_ =	shalt  }
0x6b: {  	_ =	shalt  }
0x6c: {  	_ =	shalt  }
0x6d: {  	_ =	shalt  }
0x6e: {  	_ =	shalt  }
0x6f: {  	_ =	shalt  }
0x70: {  	_ =	shalt  }
0x71: {  	_ =	shalt  }
0x72: {  	_ =	shalt  }
0x73: {  	_ =	shalt  }
0x74: {  	_ =	shalt  }
0x75: {  	_ =	shalt  }
0x76: {  	_ =	shalt  }
0x77: {  	_ =	shalt  }
0x78: {  	_ =	shalt  }
0x79: {  	_ =	shalt  }
0x7a: {  	_ =	shalt  }
0x7b: {  	_ =	shalt  }
0x7c: {  	_ =	shalt  }
0x7d: {  	_ =	shalt  }
0x7e: {  	_ =	shalt  }
0x7f: {  	_ =	shalt  }
0x80: {  	_ =	shalt  }
0x81: {  	_ =	shalt  }
0x82: {  	_ =	shalt  }
0x83: {  	_ =	shalt  }
0x84: {  	_ =	shalt  }
0x85: {  	_ =	shalt  }
0x86: {  	_ =	shalt  }
0x87: {  	_ =	shalt  }
.Lfunc_end0:
.L_simem_size_0:
called_computation_lowered:
.L_overlay_start_0:
0x88: {  	s2 =	sld [smem:$0x3FD9]  }
0x89: {  	s3 =	sld [smem:$0x3FFE];
	_ =	sdelay $0x1  }
0x8a: {  	s1 =	srdreg.scid  }
0x8b: {  	s0 =	sand.u32 $0x1, s1  }
0x8c: {  	s17 =	sshll.u32 s0, $0xA;
	s2 =	sadd.s32 s3, s2  }
0x8d: {  	s2 =	sadd.s32 s2, s17  }
0x8e: {  	[smem:$0x3FC6] =	sst s2  }
0x8f: {  	_ = 	snop  }
0x90: {  	s2 =	sld [smem:$0x3FC9]  }
0x91: {  	s18 =	sld [smem:$0x3FC8]  }
0x92: {  	s4 =	sld [smem:$0x3FD0];
	(tm) =	ssettm $0x1  }
0x93: {  	s5 =	sld [smem:$0x3FFB];
	_ =	sdelay $0x3  }
0x94: {  	_ =	strace s5  }
0x95: {  	s5 =	sld [smem:$0x3FFC];
	_ =	sdelay $0x3  }
0x96: {  	_ =	strace s5  }
0x97: {  	s5 =	sld [smem:$0x3FFD];
	_ =	sdelay $0x3  }
0x98: {  	_ =	strace s5  }
0x99: {  	_ =	strace $0x8FFFFFFF  }
0x9a: {  	s19 =	sld [smem:$0x3FDB];
	_ =	sdelay $0x1  }
0x9b: {  	s6 =	simm.s32 $_scs_section_size  }
0x9c: {  	s7 =	simm.s32 $_size__tile_overlayer_lowered;
	s8 =	simm.s32 $_tile_overlayer_lowered  }
0x9d: {  	s22 =	simm.s32 $0x1BFF;
	s21 =	sshll.u32 s8, $0x1;
	s5 =	sadd.s32 s6, s19  }
0x9e: {  	s9 =	simm.s32 $0x0;
	s20 =	sshll.u32 s7, $0x1;
	s7 =	sadd.s32 s21, s5  }
0x9f: {  	[timem:s9], [sflag:s22] =	dma.local [hbm:s7], s20  }
0xa0: {  	_ =	swait.ge [sflag:s22], s20  }
0xa1: {  	s6 =	ssub.s32 $0x0, s20;
	[sflag:s22] =	ssyncset.done $0x0  }
0xa2: {  	[sflag:s22] =	ssyncadd.s32 s6;
	_ =	sdelay $0x1  }
0xa3: {  	s23 =	simm.s32 $0x1B8B  }
0xa4: {  	_ =	swait.ge [sflag:s23], $0x1  }
0xa5: {  	[sflag:s23] =	ssyncset.done $0x0  }
0xa6: {  	s25 =	simm.s32 $0x1B8E;
	s24 =	sld [smem:$0x3FFE];
	[sflag:s23] =	ssyncadd.s32 $0xFFFFFFFF  }
0xa7: {  	s26 =	simm.s32 $execute0_lowered;
	[smem:$0x3FD2] =	sst s25  }
0xa8: {  	s7 =	sshll.u32 s26, $0x1;
	_ =	strace $0x80000046;
	[dreg:$0x1] =	wrdreg $0xFFFFFFFF  }
0xa9: {  	s28 =	simm.s32 $_size_execute0_lowered;
	s5 =	sadd.s32 s5, s7;
	[dreg:$0x0] =	wrdreg $0x0  }
0xaa: {  	s7 =	sshll.u32 s28, $0x1;
	[dreg:$0x2] =	wrdreg s5  }
0xab: {  	[dreg:$0x3] =	wrdreg s7  }
0xac: {  	[dreg:$0x4] =	wrdreg $0xC0  }
0xad: {  	_ =	task [dreg:s9], $0x5FFFF  }
0xae: {  	[dreg:$0x1] =	wrdreg $0xFFFFFFFF  }
0xaf: {  	[dreg:$0x0] =	wrdreg $0x60  }
0xb0: {  	[dreg:$0x2] =	wrdreg s2  }
0xb1: {  	[dreg:$0x3] =	wrdreg s18  }
0xb2: {  	[dreg:$0x4] =	wrdreg s24  }
0xb3: {  	[dreg:$0x5] =	wrdreg s4  }
0xb4: {  	[dreg:$0x6] =	wrdreg $0x9  }
0xb5: {  	_ =	task.clear_ibuf [dreg:s9], $0x7FFFF;
	_ =	strace $0x90000046  }
0xb6: {  	s29 =	simm.s32 $0x9;
	_ =	strace $0x80000048  }
0xb7: {  	_ =	swait.ge [sflag:s29], $0x1  }
0xb8: {  	[sflag:s29] =	ssyncadd.s32 $0xFFFFFFFF  }
0xb9: {  	_ =	strace $0x90000048  }
0xba: {  	_ =	sfence  }
0xbb: {  	s30 =	sld [smem:$0x0];
	_ =	sdelay $0x2  }
0xbc: {  	s31 =	sshll.u32 s1, $0xD;
	s1 =	sshrl.u32 s1, $0x2  }
0xbd: {  	s3 =	sand.u32 $0x4000, s31;
	s1 =	sadd.s32 s1, s30  }
0xbe: {  	s0 =	sor.u32 s3, s0;
	s1 =	sshll.u32 s1, $0x11  }
0xbf: {  	s0 =	sor.u32 s1, s0  }
0xc0: {  	s0 =	sadd.s32 $0x8F2B, s0  }
0xc1: {  	[sflag:s0] =	ssyncadd.remote.s32 $0x1  }
0xc2: {  	_ =	sfence.sel $0xFFFF  }
0xc3: {  	[dreg:$0x0] =	wrdreg $0xFFFFFFFF;
	(pc) =	sbr.abs _section_cstart, $3  }
0xc4: {  	[dreg:$0x1] =	wrdreg $0xFFFFFFFF  }
0xc5: {  	_ =	task.clear_ibuf [dreg:s9], $0x2FFFF;
	_ =	strace $0x9FFFFFFF  }
0xc6: {  	(tm) =	ssettm $0x7FFFFFFF  }
0xc7: {  	_ =	shalt  }
tec
execute0_lowered:
.L_overlay_start_1:
0x0: {  	(tag) =	ssettag $0x1  }
0x1: {  	s1 =	rddreg [dreg:$0x0]  }
0x2: {  	s2 =	rddreg [dreg:$0x1]  }
0x3: {  	s3 =	rddreg [dreg:$0x2];
	s5 =	srdreg.scid  }
0x4: {  	s0 =	stileid.u32;
	s4 =	rddreg [dreg:$0x3];
	s15 =	simm.s32 $0x3  }
0x5: {  	s17 =	simm.s32 $0xC380;
	s18 =	simm.s32 $0x18700;
	s19 =	simm.s32 $0x1  }
0x6: {  	s20 =	simm.s32 $0x2;
	s6 =	sand.u32 $0x1, s5;
	s7 =	sshll.u32 s0, $0x1  }
0x7: {  	s21 =	simm.s32 $0x1C780;
	s5 =	simm.s32 $0x0;
	s7 =	sor.u32 s6, s7  }
0x8: {  	[smem:$0x7FF] =	sst s5;
	s8 =	ssub.s32 $0x2, s6;
	s6 =	smul.u32 $0x1A, s7  }
0x9: {  	s22 =	simm.s32 $0x0;
	_ =	strace $0x80000047;
	s28 =	sshrl.u32 s8, $0x1  }
0xa: {  	s7 =	sadd.s32 $0x400, s3;
	s3 =	ssub.s32 s8, s28;
	s29 =	sshrl.u32 s6, $0x5  }
0xb: {  	s9 =	sand.u32 $0x18, s6;
	s10 =	sshll.u32 s6, $0x6;
	s12 =	sshrl.u32 s6, $0x1  }
0xc: {  	s14 =	sshll.u32 s6, $0x7;
	s9 =	sshrl.u32 s9, $0x3;
	s11 =	smul.u32 $0x30E000, s29  }
0xd: {  	s10 =	sand.u32 $0xC000, s10;
	s8 =	sshll.u32 s29, $0xC;
	s13 =	smul.u32 $0xC3800, s9  }
0xe: {  	s14 =	sand.u32 $0x300, s14;
	s30 =	sand.u32 $0x70, s12;
	s9 =	sshll.u32 s9, $0xA  }
0xf: {  	s12 =	simm.s32 $0x80;
	s8 =	sor.u32 s8, s9;
	s11 =	sadd.s32 s11, s13  }
0x10: {  	v0 =	vlaneseq.u32;
	s9 =	sadd.s32 s1, s30;
	s8 =	sor.u32 s14, s8;
	s11 =	sor.u32 s14, s11  }
0x11: {  	v1 =	vimm.s32 $0xFFFF3D60;
	v2 =	vor.u32 $0x10, v0;
	s13 =	simm.s32 $0x400;
	s31 =	sshrl.u32 s8, $0x3;
	s11 =	sshrl.u32 s11, $0x3  }
0x12: {  	v3 =	vor.u32 $0x20, v0;
	v4 =	vor.u32 $0x30, v0;
	v5 =	vor.u32 $0x40, v0;
	s8 =	sadd.s32 s10, s9;
	s14 =	simm.s32 $0x18780;
	s9 =	sadd.s32 s2, s11  }
0x13: {  	v6 =	vor.u32 $0x50, v0;
	v7 =	vor.u32 $0x60, v0;
	v8 =	vor.u32 $0x70, v0;
	s10 =	sadd.s32 s7, s31;
	s11 =	smax.u32 s3, $0x1;
	s16 =	sadd.s32 $0xC300, s9  }
.LBB2_1:
0x14: {  	[tilespmem:s14], [sflag:$0x3] =	stream.strided.gather [hbm4b:s8+s12], $0x4000, s13, s12, $0x38;
	[tilespmem:$0x1E780] =	vst v63  }
0x15: {  	_ =	swait.ge [sflag:s15], $0x4000  }
0x16: {  	[sflag:s15] =	ssyncset.done $0x0  }
0x17: {  	[sflag:s15] =	ssyncadd.s32 $0xFFFFC000  }
0x18: {  	[tilespmem:s5], [sflag:$0x1] =	stream.strided.gather [hbm4b:s9+s12], $0xC380, s13, s12, $0x38;
	[tilespmem:$0x1E780] =	vst v63  }
0x19: {  	_ = 	snop  }
0x1a: {  	[tilespmem:s17], [sflag:$0x2] =	stream.strided.gather [hbm4b:s16+s12], $0xC380, s13, s12, $0x38;
	[tilespmem:$0x1E780] =	vst v63  }
0x1b: {  	s23 =	simm.s32 $0x0  }
0x1c: {  	[tilespmem:s18], [sflag:$0x2] =	stream.linear.gather [hbm4b:s10+s5], $0x80, $0x38;
	[tilespmem:$0x1E780] =	vst v63  }
.LBB2_2:
0x1d: {  	s24 =	sadd.s32 s6, s23  }
0x1e: {  	p0 =	seq.s32 s23, $0x0;
	s26 =	sand.u32 $0x1F, s24  }
0x1f: {  	p1 =	sne.s32 @!p0 s26, $0x0  }
0x20: {  	s28 =	sshrl.u32 s24, $0x5;
	p0 =	por p1, p0  }
0x21: {  	s3 =	sshll.u32 @!p0 s28, $0x4  }
0x22: {  	s25 =	sshll.u32 @!p0 s28, $0xB;
	s3 =	sand.u32 @!p0 $0x70, s3  }
0x23: {  	s29 =	simm.s32 @!p0 $0x400;
	s25 =	sand.u32 @!p0 $0xFFFC000, s25;
	s3 =	sadd.s32 @!p0 s1, s3  }
0x24: {  	s30 =	simm.s32 @!p0 $0x18780;
	s3 =	sadd.s32 @!p0 s25, s3;
	s25 =	simm.s32 @!p0 $0x80  }
0x25: {  	[tilespmem:s30], [sflag:$0x3] =	stream.strided.gather @!p0 [hbm4b:s3+s25], $0x4000, s29, s25, $0x38;
	[tilespmem:$0x1E780] =	vst v63  }
0x26: {  	s3 =	simm.s32 @!p0 $0x3  }
0x27: {  	_ =	swait.ge @!p0 [sflag:s3], $0x4000  }
0x28: {  	[sflag:s3] =	ssyncset.done @!p0 $0x0  }
0x29: {  	[sflag:s3] =	ssyncadd.s32 @!p0 $0xFFFFC000  }
0x2a: {  	_ =	swait.ge [sflag:s19], $0xC380  }
0x2b: {  	[sflag:s19] =	ssyncset.done $0x0  }
0x2c: {  	s25 =	simm.s32 $0x187C0;
	[sflag:s19] =	ssyncadd.s32 $0xFFFF3C80  }
0x2d: {  	v9 =	vld [tilespmem:s25+$0x30]  }
0x2e: {  	v10 =	vld [tilespmem:s25+$0xFFFFFFD0]  }
0x2f: {  	v13 =	vld [tilespmem:s25+$0x0]  }
0x30: {  	v11 =	vld [tilespmem:s25+$0xFFFFFFE0]  }
0x31: {  	v12 =	vld [tilespmem:s25+$0xFFFFFFF0]  }
0x32: {  	v14 =	vld [tilespmem:s25+$0x10]  }
0x33: {  	v15 =	vld [tilespmem:s25+$0x20];
	vm0 =	vlt.s32 v9, $0xC380  }
0x34: {  	s31 =	simm.s32 $0x18840;
	v16 =	vld [tilespmem:s25+$0xFFFFFFC0];
	vm4 =	vlt.s32 v13, $0xC380  }
0x35: {  	v22 =	vld [tilespmem:s31+$0xFFFFFFD0]  }
0x36: {  	v23 =	vld [tilespmem:s31+$0xFFFFFFE0];
	vm1 =	vlt.s32 v10, $0xC380  }
0x37: {  	v24 =	vld [tilespmem:s31+$0xFFFFFFF0];
	vm2 =	vlt.s32 v11, $0xC380  }
0x38: {  	v25 =	vld [tilespmem:s31+$0x0];
	vm3 =	vlt.s32 v12, $0xC380  }
0x39: {  	v17 =	vld.idx.msk [tilespmem:v9+s5+$0x0], vm0  }
0x3a: {  	v21 =	vld.idx.msk [tilespmem:v13+s5+$0x0], vm4  }
0x3b: {  	v13 =	vld [tilespmem:s31+$0x30]  }
0x3c: {  	v18 =	vld.idx.msk [tilespmem:v10+s5+$0x0], vm1;
	vm0 =	vlt.s32 v16, $0xC380  }
0x3d: {  	v19 =	vld.idx.msk [tilespmem:v11+s5+$0x0], vm2;
	vm1 =	vlt.s32 v14, $0xC380  }
0x3e: {  	vm5 =	vlt.s32 v25, $0xC380;
	v20 =	vld.idx.msk [tilespmem:v12+s5+$0x0], vm3  }
0x3f: {  	vm2 =	vlt.s32 v15, $0xC380;
	v9 =	vld [tilespmem:s31+$0x10]  }
0x40: {  	v10 =	vld [tilespmem:s31+$0x20];
	vm3 =	vlt.s32 v13, $0xC380  }
0x41: {  	vm15 =	vlt.s32 v22, $0xC380;
	v11 =	vld [tilespmem:s31+$0xFFFFFFC0]  }
0x42: {  	s3 =	simm.s32 $0x1C7C0;
	v26 =	vld.idx.msk [tilespmem:v16+s5+$0x0], vm0;
	vm0 =	vlt.s32 v23, $0xC380  }
0x43: {  	[tilespmem:s3+$0x30] =	vst v17;
	v27 =	vld.idx.msk [tilespmem:v14+s5+$0x0], vm1;
	vm1 =	vlt.s32 v24, $0xC380  }
0x44: {  	[tilespmem:s3+$0xFFFFFFD0] =	vst v18;
	v17 =	vld.idx.msk [tilespmem:v25+s5+$0x0], vm5  }
0x45: {  	[tilespmem:s3+$0xFFFFFFE0] =	vst v19;
	v12 =	vld.idx.msk [tilespmem:v15+s5+$0x0], vm2  }
0x46: {  	[tilespmem:s3+$0xFFFFFFF0] =	vst v20;
	v13 =	vld.idx.msk [tilespmem:v13+s5+$0x0], vm3  }
0x47: {  	[tilespmem:s3+$0x0] =	vst v21;
	v14 =	vld.idx.msk [tilespmem:v22+s5+$0x0], vm15  }
0x48: {  	s29 =	simm.s32 $0x8;
	s31 =	sadd.s32 $0x1, s24;
	[tilespmem:s3+$0xFFFFFFC0] =	vst v26;
	v16 =	vld.idx.msk [tilespmem:v23+s5+$0x0], vm0  }
0x49: {  	s30 =	simm.s32 $0x188C0;
	s24 =	sshrl.u32 s31, $0x5;
	s25 =	sand.u32 $0x1F, s31;
	vm2 =	vlt.s32 v11, $0xC380;
	[tilespmem:s3+$0x10] =	vst v27;
	v15 =	vld.idx.msk [tilespmem:v24+s5+$0x0], vm1;
	vm0 =	vlt.s32 v9, $0xC380;
	vm1 =	vlt.s32 v10, $0xC380  }
.LBB2_3:
0x4a: {  	v18 =	vld [tilespmem:s30+$0x30];
	s29 =	sadd.s32 $0x8, s29;
	[tilespmem:s3+$0x20] =	vst v12;
	s3 =	sadd.s32 $0x80, s3  }
0x4b: {  	v19 =	vld [tilespmem:s30+$0xFFFFFFD0];
	p0 =	slt.u32 s29, $0x1F8;
	[tilespmem:s3+$0x30] =	vst v13  }
0x4c: {  	v20 =	vld [tilespmem:s30+$0xFFFFFFE0];
	[tilespmem:s3+$0xFFFFFFD0] =	vst v14  }
0x4d: {  	v21 =	vld [tilespmem:s30+$0xFFFFFFF0];
	[tilespmem:s3+$0xFFFFFFE0] =	vst v16  }
0x4e: {  	v22 =	vld [tilespmem:s30+$0x0];
	[tilespmem:s3+$0xFFFFFFF0] =	vst v15  }
0x4f: {  	v13 =	vld [tilespmem:s30+$0x10];
	vm3 =	vlt.s32 v18, $0xC380;
	[tilespmem:s3+$0x0] =	vst v17  }
0x50: {  	vm4 =	vlt.s32 v19, $0xC380;
	v14 =	vld [tilespmem:s30+$0x20]  }
0x51: {  	v15 =	vld [tilespmem:s30+$0xFFFFFFC0];
	vm5 =	vlt.s32 v20, $0xC380  }
0x52: {  	vm6 =	vlt.s32 v21, $0xC380;
	v17 =	vld.idx.msk [tilespmem:v11+s5+$0x0], vm2  }
0x53: {  	vm7 =	vlt.s32 v22, $0xC380;
	v23 =	vld.idx.msk [tilespmem:v9+s5+$0x0], vm0  }
0x54: {  	vm0 =	vlt.s32 v13, $0xC380;
	v12 =	vld.idx.msk [tilespmem:v10+s5+$0x0], vm1;
	v9 =	vmov v13  }
.Ltmp0:
0x55: {  	vm1 =	vlt.s32 v14, $0xC380;
	v13 =	vld.idx.msk [tilespmem:v18+s5+$0x0], vm3;
	v10 =	vmov v14;
	(pc) =	sbr.rel @p0 .LBB2_3-.Ltmp0, $4  }
0x56: {  	vm2 =	vlt.s32 v15, $0xC380;
	v14 =	vld.idx.msk [tilespmem:v19+s5+$0x0], vm4;
	v11 =	vmov v15  }
0x57: {  	v16 =	vld.idx.msk [tilespmem:v20+s5+$0x0], vm5  }
0x58: {  	v15 =	vld.idx.msk [tilespmem:v21+s5+$0x0], vm6;
	[tilespmem:s3+$0xFFFFFFC0] =	vst v17  }
0x59: {  	s30 =	sadd.s32 $0x80, s30;
	v17 =	vld.idx.msk [tilespmem:v22+s5+$0x0], vm7;
	[tilespmem:s3+$0x10] =	vst v23  }
0x5a: {  	_ =	sdelay $0x3  }
0x5b: {  	[tilespmem:s3+$0x20] =	vst v12;
	s3 =	sadd.s32 $0x80, s3  }
0x5c: {  	v11 =	vld.idx.msk [tilespmem:v11+s5+$0x0], vm2;
	[tilespmem:s3+$0x30] =	vst v13  }
0x5d: {  	v9 =	vld.idx.msk [tilespmem:v9+s5+$0x0], vm0;
	[tilespmem:s3+$0xFFFFFFD0] =	vst v14  }
0x5e: {  	v10 =	vld.idx.msk [tilespmem:v10+s5+$0x0], vm1;
	[tilespmem:s3+$0xFFFFFFE0] =	vst v16  }
0x5f: {  	[tilespmem:s3+$0xFFFFFFF0] =	vst v15  }
0x60: {  	[tilespmem:s3+$0x0] =	vst v17  }
0x61: {  	[tilespmem:s3+$0xFFFFFFC0] =	vst v11  }
0x62: {  	[tilespmem:s3+$0x10] =	vst v9  }
0x63: {  	[tilespmem:s3+$0x20] =	vst v10  }
0x64: {  	_ =	swait.ge [sflag:s20], $0xC380  }
0x65: {  	[sflag:s20] =	ssyncset.done $0x0  }
0x66: {  	[sflag:s20] =	ssyncadd.s32 $0xFFFF3C80  }
0x67: {  	_ =	swait.ge [sflag:s20], $0x80  }
0x68: {  	[sflag:s20] =	ssyncset.done $0x0  }
0x69: {  	s3 =	simm.s32 $0x187C0;
	[sflag:s20] =	ssyncadd.s32 $0xFFFFFF80  }
0x6a: {  	v9 =	vld [tilespmem:s3+$0x30]  }
0x6b: {  	v10 =	vld [tilespmem:s3+$0xFFFFFFD0]  }
0x6c: {  	v11 =	vld [tilespmem:s3+$0xFFFFFFE0]  }
0x6d: {  	v12 =	vld [tilespmem:s3+$0xFFFFFFF0]  }
0x6e: {  	v17 =	vld [tilespmem:s3+$0xFFFFFFC0]  }
0x6f: {  	v13 =	vld [tilespmem:s3+$0x0]  }
0x70: {  	v14 =	vld [tilespmem:s3+$0x10]  }
0x71: {  	v15 =	vld [tilespmem:s3+$0x20];
	s3 =	simm.s32 $0x18840  }
0x72: {  	v35 =	vld [tilespmem:s3+$0xFFFFFFD0];
	vm0 =	vlt.s32 v9, $0x18680;
	vm1 =	vlt.s32 v10, $0x18680  }
0x73: {  	vm7 =	vgt.s32 v9, $0xC37F;
	vm2 =	vgt.s32 v17, $0xC37F;
	vm3 =	vgt.s32 v10, $0xC37F  }
0x74: {  	vm4 =	vgt.s32 v11, $0xC37F;
	vm6 =	vgt.s32 v12, $0xC37F;
	vm9 =	vgt.s32 v13, $0xC37F  }
0x75: {  	v37 =	vld [tilespmem:s3+$0xFFFFFFE0];
	v16 =	vsel vm0, $0xFFFF3D00, v1;
	v18 =	vsel vm1, $0xFFFF3D00, v1;
	vm0 =	vlt.s32 v11, $0x18680  }
0x76: {  	vm1 =	vlt.s32 v17, $0x18680;
	vm8 =	vmmov vm2;
	vm5 =	vmmov vm3  }
0x77: {  	s29 =	simm.s32 $0x0;
	vm3 =	vmmov vm6;
	vm2 =	vmmov vm9;
	vm9 =	vlt.s32 v35, $0x18680  }
0x78: {  	v9 =	vadd.s32 v9, v16;
	v16 =	vmov s29;
	v19 =	vsel vm0, $0xFFFF3D00, v1  }
0x79: {  	vm0 =	vlt.s32 v12, $0x18680;
	v23 =	vadd.s32 v10, v18;
	v24 =	vsel vm1, $0xFFFF3D00, v1  }
0x7a: {  	vm1 =	vgt.s32 v14, $0xC37F;
	v30 =	vsel vm9, $0xFFFF3D00, v1;
	vm9 =	vlt.s32 v37, $0x18680  }
0x7b: {  	v16 =	vshrl.u32 v16, $0x7;
	v20 =	vsel vm0, $0xFFFF3D00, v1;
	vm0 =	vlt.s32 v13, $0x18680  }
0x7c: {  	v25 =	vadd.s32 v11, v19;
	v24 =	vadd.s32 v17, v24;
	v16 =	vshll.u32 v16, $0x7  }
0x7d: {  	v21 =	vsel vm0, $0xFFFF3D00, v1;
	vm0 =	vlt.s32 v14, $0x18680;
	v20 =	vadd.s32 v12, v20  }
0x7e: {  	v38 =	vld [tilespmem:s3+$0xFFFFFFF0];
	v16 =	vbroadcast v16, $0x0;
	v22 =	vsel vm0, $0xFFFF3D00, v1;
	vm0 =	vlt.s32 v15, $0x18680  }
0x7f: {  	v28 =	vadd.s32 v13, v21;
	v18 =	vsel vm0, $0xFFFF3D00, v1;
	v29 =	vadd.s32 v14, v22;
	v22 =	vld [tilespmem:s3+$0x30]  }
0x80: {  	v27 =	vor.u32 v8, v16;
	v17 =	vld.idx.msk [tilespmem:v9+s17+$0x0], vm7;
	v34 =	vadd.s32 v15, v18;
	v36 =	vor.u32 v0, v16  }
0x81: {  	v14 =	vor.u32 v2, v16;
	v13 =	vor.u32 v3, v16;
	v12 =	vor.u32 v4, v16;
	v18 =	vld [tilespmem:s3+$0x0]  }
0x82: {  	v11 =	vor.u32 v5, v16;
	v10 =	vor.u32 v6, v16;
	v9 =	vor.u32 v7, v16;
	v16 =	vld [tilespmem:s3+$0xFFFFFFC0]  }
0x83: {  	vm4 =	vmmov vm4;
	v33 =	vsel vm9, $0xFFFF3D00, v1;
	vm9 =	vlt.s32 v38, $0x18680  }
0x84: {  	vm14 =	vgt.s32 v35, $0xC37F;
	v19 =	vld [tilespmem:s3+$0x10];
	v40 =	vsel vm9, $0xFFFF3D00, v1;
	vm10 =	vlt.s32 v22, $0x18680  }
0x85: {  	s29 =	simm.s32 $0x80;
	v21 =	vld [tilespmem:s3+$0x20];
	vm0 =	vgt.s32 v15, $0xC37F;
	vm6 =	vgt.s32 v22, $0xC37F;
	v15 =	vsel vm10, $0xFFFF3D00, v1  }
0x86: {  	v31 =	vld.idx.msk [tilespmem:v23+s17+$0x0], vm5;
	v23 =	vadd.s32 v38, v40;
	v15 =	vadd.s32 v22, v15;
	v22 =	vmov s29  }
0x87: {  	v39 =	vld.idx.msk [tilespmem:v24+s17+$0x0], vm8;
	vm9 =	vlt.s32 v18, $0x18680;
	[tilespmem:v27+s21+$0x0] =	vst.idx.msk vm7, v17;
	vm7 =	vlt.s32 v16, $0x18680;
	v22 =	vshrl.u32 v22, $0x7  }
0x88: {  	v27 =	vld.idx.msk [tilespmem:v20+s17+$0x0], vm3;
	v20 =	vadd.s32 v35, v30;
	vm13 =	vgt.s32 v16, $0xC37F;
	v22 =	vshll.u32 v22, $0x7  }
0x89: {  	v26 =	vld.idx.msk [tilespmem:v25+s17+$0x0], vm4;
	v41 =	vsel vm9, $0xFFFF3D00, v1;
	vm9 =	vlt.s32 v19, $0x18680;
	v24 =	vbroadcast v22, $0x0  }
0x8a: {  	v29 =	vld.idx.msk [tilespmem:v29+s17+$0x0], vm1;
	vm10 =	vgt.s32 v37, $0xC37F;
	v42 =	vsel vm9, $0xFFFF3D00, v1;
	vm9 =	vlt.s32 v21, $0x18680  }
0x8b: {  	v17 =	vadd.s32 v18, v41;
	v22 =	vadd.s32 v37, v33;
	v32 =	vld.idx.msk [tilespmem:v15+s17+$0x0], vm6;
	v33 =	vor.u32 v8, v24  }
0x8c: {  	v30 =	vld.idx.msk [tilespmem:v28+s17+$0x0], vm2;
	[tilespmem:v36+s21+$0x0] =	vst.idx.msk vm8, v39;
	v43 =	vsel vm9, $0xFFFF3D00, v1;
	vm9 =	vgt.s32 v38, $0xC37F;
	v15 =	vsel vm7, $0xFFFF3D00, v1  }
0x8d: {  	s30 =	simm.s32 $0x8;
	s31 =	simm.s32 $0x188C0;
	v28 =	vld.idx.msk [tilespmem:v34+s17+$0x0], vm0;
	v25 =	vadd.s32 v16, v15;
	v16 =	vadd.s32 v19, v42;
	v15 =	vadd.s32 v21, v43  }
.LBB2_5:
0x8e: {  	vm12 =	vgt.s32 v18, $0xC37F;
	vm11 =	vmmov vm1;
	vm1 =	vgt.s32 v19, $0xC37F  }
0x8f: {  	v34 =	vld [tilespmem:s31+$0x30];
	s30 =	sadd.s32 $0x8, s30;
	[tilespmem:v14+s21+$0x0] =	vst.idx.msk vm5, v31;
	vm8 =	vmmov vm0;
	vm0 =	vgt.s32 v21, $0xC37F;
	vm7 =	vmmov vm13  }
0x90: {  	v36 =	vor.u32 v0, v24;
	v14 =	vor.u32 v2, v24;
	vm5 =	vmmov vm14;
	v35 =	vld [tilespmem:s31+$0xFFFFFFD0];
	p0 =	slt.u32 s30, $0x1F8;
	[tilespmem:v33+s21+$0x0] =	vst.idx.msk vm6, v32  }
0x91: {  	v18 =	vor.u32 v3, v24;
	v19 =	vor.u32 v4, v24;
	v21 =	vor.u32 v5, v24;
	v37 =	vld [tilespmem:s31+$0xFFFFFFE0]  }
0x92: {  	v31 =	vor.u32 v6, v24;
	v24 =	vor.u32 v7, v24;
	v38 =	vld [tilespmem:s31+$0xFFFFFFF0];
	[tilespmem:v13+s21+$0x0] =	vst.idx.msk vm4, v26;
	v13 =	vmov v18  }
0x93: {  	vm4 =	vmmov vm10;
	v18 =	vld [tilespmem:s31+$0x0];
	[tilespmem:v12+s21+$0x0] =	vst.idx.msk vm3, v27;
	v12 =	vmov v19;
	vm3 =	vmmov vm9  }
0x94: {  	v19 =	vld [tilespmem:s31+$0x10];
	vm9 =	vlt.s32 v34, $0x18680;
	[tilespmem:v11+s21+$0x0] =	vst.idx.msk vm2, v30;
	v11 =	vmov v21;
	vm2 =	vmmov vm12  }
0x95: {  	vm6 =	vgt.s32 v34, $0xC37F;
	vm10 =	vlt.s32 v35, $0x18680;
	v21 =	vld [tilespmem:s31+$0x20];
	v26 =	vsel vm9, $0xFFFF3D00, v1;
	[tilespmem:v10+s21+$0x0] =	vst.idx.msk vm11, v29;
	v10 =	vmovc v31  }
0x96: {  	s29 =	sadd.s32 $0x80, s29;
	v39 =	vld [tilespmem:s31+$0xFFFFFFC0];
	v29 =	vsel vm10, $0xFFFF3D00, v1;
	vm9 =	vlt.s32 v37, $0x18680;
	v30 =	vadd.s32 v34, v26;
	[tilespmem:v9+s21+$0x0] =	vst.idx.msk vm8, v28;
	v9 =	vmovc v24  }
0x97: {  	v24 =	vmov s29;
	v28 =	vsel vm9, $0xFFFF3D00, v1;
	vm8 =	vlt.s32 v38, $0x18680;
	v34 =	vld.idx.msk [tilespmem:v25+s17+$0x0], vm13  }
0x98: {  	v24 =	vshrl.u32 v24, $0x7;
	v40 =	vsel vm8, $0xFFFF3D00, v1;
	vm8 =	vlt.s32 v18, $0x18680;
	v31 =	vld.idx.msk [tilespmem:v20+s17+$0x0], vm14  }
0x99: {  	v20 =	vshll.u32 v24, $0x7;
	v41 =	vsel vm8, $0xFFFF3D00, v1;
	vm8 =	vlt.s32 v19, $0x18680;
	v26 =	vld.idx.msk [tilespmem:v22+s17+$0x0], vm4  }
0x9a: {  	v24 =	vbroadcast v20, $0x0;
	v42 =	vsel vm8, $0xFFFF3D00, v1;
	vm8 =	vlt.s32 v21, $0x18680;
	v27 =	vld.idx.msk [tilespmem:v23+s17+$0x0], vm3  }
.Ltmp1:
0x9b: {  	v20 =	vadd.s32 v35, v29;
	vm9 =	vlt.s32 v39, $0x18680;
	v43 =	vsel vm8, $0xFFFF3D00, v1;
	v32 =	vld.idx.msk [tilespmem:v30+s17+$0x0], vm6;
	(pc) =	sbr.rel @p0 .LBB2_5-.Ltmp1, $4  }
0x9c: {  	v22 =	vadd.s32 v37, v28;
	v33 =	vor.u32 v8, v24;
	v23 =	vsel vm9, $0xFFFF3D00, v1;
	v30 =	vld.idx.msk [tilespmem:v17+s17+$0x0], vm12  }
0x9d: {  	v17 =	vadd.s32 v18, v41;
	v25 =	vadd.s32 v39, v23;
	v23 =	vadd.s32 v38, v40;
	v29 =	vld.idx.msk [tilespmem:v16+s17+$0x0], vm1  }
0x9e: {  	vm13 =	vgt.s32 v39, $0xC37F;
	v16 =	vadd.s32 v19, v42;
	v28 =	vld.idx.msk [tilespmem:v15+s17+$0x0], vm0;
	v15 =	vadd.s32 v21, v43  }
0x9f: {  	vm10 =	vgt.s32 v37, $0xC37F;
	s31 =	sadd.s32 $0x80, s31;
	vm14 =	vgt.s32 v35, $0xC37F;
	vm9 =	vgt.s32 v38, $0xC37F;
	[tilespmem:v36+s21+$0x0] =	vst.idx.msk vm7, v34  }
0xa0: {  	_ =	sdelay $0x2  }
0xa1: {  	vm11 =	vmmov vm13;
	vm8 =	vmmov vm10  }
0xa2: {  	vm7 =	vmmov vm14;
	vm1 =	vmmov vm1;
	vm9 =	vmmov vm9  }
0xa3: {  	[tilespmem:v14+s21+$0x0] =	vst.idx.msk vm5, v31;
	vm7 =	vgt.s32 v18, $0xC37F;
	vm11 =	vgt.s32 v21, $0xC37F  }
0xa4: {  	vm0 =	vmmov vm0;
	v14 =	vor.u32 v0, v24;
	[tilespmem:v13+s21+$0x0] =	vst.idx.msk vm4, v26;
	v13 =	vld.idx.msk [tilespmem:v25+s17+$0x0], vm13;
	vm12 =	vmmov vm7  }
0xa5: {  	vm15 =	vgt.s32 v19, $0xC37F;
	[tilespmem:v33+s21+$0x0] =	vst.idx.msk vm6, v32  }
0xa6: {  	[tilespmem:v12+s21+$0x0] =	vst.idx.msk vm3, v27;
	v12 =	vld.idx.msk [tilespmem:v20+s17+$0x0], vm14;
	v18 =	vor.u32 v2, v24  }
0xa7: {  	v19 =	vor.u32 v3, v24;
	[tilespmem:v11+s21+$0x0] =	vst.idx.msk vm2, v30;
	v11 =	vld.idx.msk [tilespmem:v22+s17+$0x0], vm8  }
0xa8: {  	v55 =	vor.u32 v4, v24;
	[tilespmem:v10+s21+$0x0] =	vst.idx.msk vm1, v29;
	v10 =	vld.idx.msk [tilespmem:v23+s17+$0x0], vm9  }
0xa9: {  	[tilespmem:v14+s21+$0x0] =	vst.idx.msk vm13, v13;
	v13 =	vor.u32 v7, v24;
	v14 =	vld.idx.msk [tilespmem:v15+s17+$0x0], vm11  }
0xaa: {  	v56 =	vor.u32 v5, v24;
	[tilespmem:v9+s21+$0x0] =	vst.idx.msk vm0, v28;
	v9 =	vld.idx.msk [tilespmem:v17+s17+$0x0], vm12  }
0xab: {  	v16 =	vld.idx.msk [tilespmem:v16+s17+$0x0], vm15;
	[tilespmem:v18+s21+$0x0] =	vst.idx.msk vm14, v12;
	v17 =	vor.u32 v6, v24  }
0xac: {  	[tilespmem:v19+s21+$0x0] =	vst.idx.msk vm8, v11  }
0xad: {  	s3 =	sshll.u32 s28, $0x10;
	s28 =	sshll.u32 s26, $0xB;
	[tilespmem:v55+s21+$0x0] =	vst.idx.msk vm9, v10  }
0xae: {  	s31 =	sshll.u32 s26, $0x4;
	s28 =	sand.u32 $0xC000, s28;
	s3 =	sadd.s32 s4, s3;
	[tilespmem:v13+s21+$0x0] =	vst.idx.msk vm11, v14  }
0xaf: {  	s26 =	sand.u32 $0x70, s31;
	s3 =	sadd.s32 s28, s3;
	[tilespmem:v56+s21+$0x0] =	vst.idx.msk vm12, v9  }
0xb0: {  	s26 =	sadd.s32 s26, s3;
	[tilespmem:v17+s21+$0x0] =	vst.idx.msk vm15, v16  }
0xb1: {  	[hbm4b:s26+s12] =	stream.strided.scatter [tilespmem:s21], [sflag:$0x3], $0x2000, s13, s12, $0x38;
	[tilespmem:$0x1E780] =	vst v63  }
0xb2: {  	_ =	swait.ge [sflag:s15], $0x2000  }
0xb3: {  	[sflag:s15] =	ssyncset.done $0x0  }
0xb4: {  	s30 =	simm.s32 $0x1A7F0;
	[sflag:s15] =	ssyncadd.s32 $0xFFFFE000  }
0xb5: {  	v9 =	vld [tilespmem:s30+$0x0]  }
0xb6: {  	v10 =	vld [tilespmem:s30+$0xFFFFFFA0]  }
0xb7: {  	v11 =	vld [tilespmem:s30+$0xFFFFFFB0]  }
0xb8: {  	v12 =	vld [tilespmem:s30+$0xFFFFFFC0]  }
0xb9: {  	v13 =	vld [tilespmem:s30+$0xFFFFFFD0]  }
0xba: {  	v14 =	vld [tilespmem:s30+$0xFFFFFFE0]  }
0xbb: {  	vm0 =	vmmov vm15;
	v15 =	vld [tilespmem:s30+$0xFFFFFFF0]  }
0xbc: {  	s31 =	simm.s32 $0x1A870;
	vm1 =	vmmov vm11;
	v16 =	vld [tilespmem:s30+$0xFFFFFF90];
	vm0 =	vlt.s32 v9, $0xC380  }
0xbd: {  	v57 =	vld [tilespmem:s31+$0x0];
	vm1 =	vlt.s32 v10, $0xC380  }
0xbe: {  	v58 =	vld [tilespmem:s31+$0xFFFFFFA0];
	vm2 =	vlt.s32 v11, $0xC380  }
0xbf: {  	v60 =	vld [tilespmem:s31+$0xFFFFFFC0];
	vm3 =	vlt.s32 v12, $0xC380  }
0xc0: {  	v59 =	vld [tilespmem:s31+$0xFFFFFFB0];
	vm12 =	vlt.s32 v13, $0xC380  }
0xc1: {  	v61 =	vld [tilespmem:s31+$0xFFFFFFD0]  }
0xc2: {  	v17 =	vld.idx.msk [tilespmem:v9+s5+$0x0], vm0  }
0xc3: {  	v18 =	vld.idx.msk [tilespmem:v10+s5+$0x0], vm1  }
0xc4: {  	vm15 =	vlt.s32 v60, $0xC380;
	v19 =	vld.idx.msk [tilespmem:v11+s5+$0x0], vm2  }
0xc5: {  	v12 =	vld.idx.msk [tilespmem:v12+s5+$0x0], vm3;
	vm0 =	vlt.s32 v16, $0xC380  }
0xc6: {  	v13 =	vld.idx.msk [tilespmem:v13+s5+$0x0], vm12;
	vm1 =	vlt.s32 v14, $0xC380  }
0xc7: {  	vm2 =	vlt.s32 v15, $0xC380;
	v9 =	vld [tilespmem:s31+$0xFFFFFFE0]  }
0xc8: {  	vm3 =	vlt.s32 v57, $0xC380;
	v10 =	vld [tilespmem:s31+$0xFFFFFFF0]  }
0xc9: {  	s3 =	simm.s32 $0x1C7C0;
	vm13 =	vlt.s32 v58, $0xC380;
	v11 =	vld [tilespmem:s31+$0xFFFFFF90]  }
0xca: {  	vm14 =	vlt.s32 v59, $0xC380;
	[tilespmem:s3+$0xFFFFFFF0] =	vst v12;
	v12 =	vld.idx.msk [tilespmem:v60+s5+$0x0], vm15  }
0xcb: {  	vm7 =	vlt.s32 v61, $0xC380;
	v62 =	vld.idx.msk [tilespmem:v16+s5+$0x0], vm0  }
0xcc: {  	[tilespmem:s3+$0x30] =	vst v17;
	v63 =	vld.idx.msk [tilespmem:v14+s5+$0x0], vm1  }
0xcd: {  	[tilespmem:s3+$0xFFFFFFD0] =	vst v18;
	v17 =	vld.idx.msk [tilespmem:v15+s5+$0x0], vm2  }
0xce: {  	[tilespmem:s3+$0xFFFFFFE0] =	vst v19;
	v16 =	vld.idx.msk [tilespmem:v57+s5+$0x0], vm3  }
0xcf: {  	[tilespmem:s3+$0x0] =	vst v13;
	v15 =	vld.idx.msk [tilespmem:v58+s5+$0x0], vm13  }
0xd0: {  	v14 =	vld.idx.msk [tilespmem:v59+s5+$0x0], vm14;
	[tilespmem:s3+$0xFFFFFFC0] =	vst v62  }
0xd1: {  	s29 =	simm.s32 $0x1A8F0;
	s28 =	simm.s32 $0x8;
	v13 =	vld.idx.msk [tilespmem:v61+s5+$0x0], vm7;
	vm1 =	vlt.s32 v9, $0xC380;
	vm0 =	vlt.s32 v10, $0xC380;
	vm2 =	vlt.s32 v11, $0xC380;
	[tilespmem:s3+$0x10] =	vst v63  }
.LBB2_7:
0xd2: {  	v18 =	vld [tilespmem:s29+$0x0];
	s28 =	sadd.s32 $0x8, s28;
	[tilespmem:s3+$0x20] =	vst v17;
	s3 =	sadd.s32 $0x80, s3  }
0xd3: {  	v19 =	vld [tilespmem:s29+$0xFFFFFFA0];
	p0 =	slt.u32 s28, $0x1F8;
	[tilespmem:s3+$0x30] =	vst v16  }
0xd4: {  	v20 =	vld [tilespmem:s29+$0xFFFFFFB0];
	[tilespmem:s3+$0xFFFFFFD0] =	vst v15  }
0xd5: {  	v21 =	vld [tilespmem:s29+$0xFFFFFFC0];
	[tilespmem:s3+$0xFFFFFFE0] =	vst v14  }
0xd6: {  	v22 =	vld [tilespmem:s29+$0xFFFFFFD0];
	[tilespmem:s3+$0xFFFFFFF0] =	vst v12  }
0xd7: {  	v12 =	vld [tilespmem:s29+$0xFFFFFFE0];
	vm3 =	vlt.s32 v18, $0xC380;
	[tilespmem:s3+$0x0] =	vst v13  }
0xd8: {  	vm4 =	vlt.s32 v19, $0xC380;
	v13 =	vld [tilespmem:s29+$0xFFFFFFF0]  }
0xd9: {  	v14 =	vld [tilespmem:s29+$0xFFFFFF90];
	vm5 =	vlt.s32 v20, $0xC380  }
0xda: {  	vm6 =	vlt.s32 v21, $0xC380;
	v23 =	vld.idx.msk [tilespmem:v11+s5+$0x0], vm2  }
0xdb: {  	vm7 =	vlt.s32 v22, $0xC380;
	v24 =	vld.idx.msk [tilespmem:v9+s5+$0x0], vm1  }
0xdc: {  	vm1 =	vlt.s32 v12, $0xC380;
	v17 =	vld.idx.msk [tilespmem:v10+s5+$0x0], vm0;
	v9 =	vmov v12  }
.Ltmp2:
0xdd: {  	vm0 =	vlt.s32 v13, $0xC380;
	v16 =	vld.idx.msk [tilespmem:v18+s5+$0x0], vm3;
	v10 =	vmov v13;
	(pc) =	sbr.rel @p0 .LBB2_7-.Ltmp2, $4  }
0xde: {  	vm2 =	vlt.s32 v14, $0xC380;
	v15 =	vld.idx.msk [tilespmem:v19+s5+$0x0], vm4;
	v11 =	vmov v14  }
0xdf: {  	v14 =	vld.idx.msk [tilespmem:v20+s5+$0x0], vm5  }
0xe0: {  	v12 =	vld.idx.msk [tilespmem:v21+s5+$0x0], vm6;
	[tilespmem:s3+$0xFFFFFFC0] =	vst v23  }
0xe1: {  	s29 =	sadd.s32 $0x80, s29;
	v13 =	vld.idx.msk [tilespmem:v22+s5+$0x0], vm7;
	[tilespmem:s3+$0x10] =	vst v24  }
0xe2: {  	_ =	sdelay $0x3  }
0xe3: {  	[tilespmem:s3+$0x20] =	vst v17;
	s3 =	sadd.s32 $0x80, s3  }
0xe4: {  	p0 =	seq.s32 s23, $0x19;
	v11 =	vld.idx.msk [tilespmem:v11+s5+$0x0], vm2;
	[tilespmem:s3+$0x30] =	vst v16  }
0xe5: {  	v9 =	vld.idx.msk [tilespmem:v9+s5+$0x0], vm1;
	s29 =	smul.u32 @!p0 $0x30E000, s24;
	s28 =	sshrl.u32 @!p0 s25, $0x3;
	[tilespmem:s3+$0xFFFFFFD0] =	vst v15  }
0xe6: {  	v10 =	vld.idx.msk [tilespmem:v10+s5+$0x0], vm0;
	s30 =	smul.u32 @!p0 $0xC3800, s28;
	[tilespmem:s3+$0xFFFFFFE0] =	vst v14  }
0xe7: {  	s25 =	sshll.u32 @!p0 s25, $0x7;
	[tilespmem:s3+$0xFFFFFFF0] =	vst v12  }
0xe8: {  	s25 =	sand.u32 @!p0 $0x380, s25;
	s29 =	sadd.s32 @!p0 s29, s30;
	[tilespmem:s3+$0x0] =	vst v13  }
0xe9: {  	s29 =	sor.u32 @!p0 s25, s29;
	[tilespmem:s3+$0xFFFFFFC0] =	vst v11  }
0xea: {  	s31 =	simm.s32 @!p0 $0x0;
	[tilespmem:s3+$0x10] =	vst v9;
	s29 =	sshrl.u32 @!p0 s29, $0x3  }
0xeb: {  	s30 =	simm.s32 @!p0 $0x400;
	[tilespmem:s3+$0x20] =	vst v10;
	s3 =	simm.s32 @!p0 $0x80;
	s29 =	sadd.s32 @!p0 s2, s29  }
0xec: {  	[tilespmem:s31], [sflag:$0x1] =	stream.strided.gather @!p0 [hbm4b:s29+s3], $0xC380, s30, s3, $0x38;
	[tilespmem:$0x1E780] =	vst v63  }
0xed: {  	s3 =	simm.s32 $0x1A7F0  }
0xee: {  	v9 =	vld [tilespmem:s3+$0x0]  }
0xef: {  	v10 =	vld [tilespmem:s3+$0xFFFFFFA0]  }
0xf0: {  	v11 =	vld [tilespmem:s3+$0xFFFFFFB0]  }
0xf1: {  	v12 =	vld [tilespmem:s3+$0xFFFFFFC0]  }
0xf2: {  	v17 =	vld [tilespmem:s3+$0xFFFFFF90]  }
0xf3: {  	v13 =	vld [tilespmem:s3+$0xFFFFFFD0]  }
0xf4: {  	v14 =	vld [tilespmem:s3+$0xFFFFFFE0]  }
0xf5: {  	v15 =	vld [tilespmem:s3+$0xFFFFFFF0];
	s3 =	simm.s32 $0x1A870  }
0xf6: {  	v35 =	vld [tilespmem:s3+$0xFFFFFFA0];
	vm0 =	vlt.s32 v9, $0x18680;
	vm1 =	vlt.s32 v10, $0x18680  }
0xf7: {  	vm7 =	vgt.s32 v9, $0xC37F;
	vm2 =	vgt.s32 v17, $0xC37F;
	vm3 =	vgt.s32 v10, $0xC37F  }
0xf8: {  	vm4 =	vgt.s32 v11, $0xC37F;
	vm6 =	vgt.s32 v12, $0xC37F;
	vm9 =	vgt.s32 v13, $0xC37F  }
0xf9: {  	v37 =	vld [tilespmem:s3+$0xFFFFFFB0];
	v16 =	vsel vm0, $0xFFFF3D00, v1;
	v18 =	vsel vm1, $0xFFFF3D00, v1;
	vm0 =	vlt.s32 v11, $0x18680  }
0xfa: {  	vm1 =	vlt.s32 v17, $0x18680;
	vm8 =	vmmov vm2;
	vm5 =	vmmov vm3  }
0xfb: {  	s30 =	simm.s32 $0x0;
	vm3 =	vmmov vm6;
	vm2 =	vmmov vm9;
	vm9 =	vlt.s32 v35, $0x18680  }
0xfc: {  	v9 =	vadd.s32 v9, v16;
	v16 =	vmov s30;
	v19 =	vsel vm0, $0xFFFF3D00, v1  }
0xfd: {  	vm0 =	vlt.s32 v12, $0x18680;
	v23 =	vadd.s32 v10, v18;
	v24 =	vsel vm1, $0xFFFF3D00, v1  }
0xfe: {  	vm1 =	vgt.s32 v14, $0xC37F;
	v30 =	vsel vm9, $0xFFFF3D00, v1;
	vm9 =	vlt.s32 v37, $0x18680  }
0xff: {  	v16 =	vshrl.u32 v16, $0x7;
	v20 =	vsel vm0, $0xFFFF3D00, v1;
	vm0 =	vlt.s32 v13, $0x18680  }
0x100: {  	v25 =	vadd.s32 v11, v19;
	v24 =	vadd.s32 v17, v24;
	v16 =	vshll.u32 v16, $0x7  }
0x101: {  	v21 =	vsel vm0, $0xFFFF3D00, v1;
	vm0 =	vlt.s32 v14, $0x18680;
	v20 =	vadd.s32 v12, v20  }
0x102: {  	v38 =	vld [tilespmem:s3+$0xFFFFFFC0];
	v16 =	vbroadcast v16, $0x0;
	v22 =	vsel vm0, $0xFFFF3D00, v1;
	vm0 =	vlt.s32 v15, $0x18680  }
0x103: {  	v28 =	vadd.s32 v13, v21;
	v18 =	vsel vm0, $0xFFFF3D00, v1;
	v29 =	vadd.s32 v14, v22;
	v22 =	vld [tilespmem:s3+$0x0]  }
0x104: {  	v27 =	vor.u32 v8, v16;
	v17 =	vld.idx.msk [tilespmem:v9+s17+$0x0], vm7;
	v34 =	vadd.s32 v15, v18;
	v36 =	vor.u32 v0, v16  }
0x105: {  	v14 =	vor.u32 v2, v16;
	v13 =	vor.u32 v3, v16;
	v12 =	vor.u32 v4, v16;
	v18 =	vld [tilespmem:s3+$0xFFFFFFD0]  }
0x106: {  	v11 =	vor.u32 v5, v16;
	v10 =	vor.u32 v6, v16;
	v9 =	vor.u32 v7, v16;
	v16 =	vld [tilespmem:s3+$0xFFFFFF90]  }
0x107: {  	vm4 =	vmmov vm4;
	v33 =	vsel vm9, $0xFFFF3D00, v1;
	vm9 =	vlt.s32 v38, $0x18680  }
0x108: {  	vm14 =	vgt.s32 v35, $0xC37F;
	v19 =	vld [tilespmem:s3+$0xFFFFFFE0];
	v40 =	vsel vm9, $0xFFFF3D00, v1;
	vm10 =	vlt.s32 v22, $0x18680  }
0x109: {  	s30 =	simm.s32 $0x80;
	v21 =	vld [tilespmem:s3+$0xFFFFFFF0];
	vm0 =	vgt.s32 v15, $0xC37F;
	vm6 =	vgt.s32 v22, $0xC37F;
	v15 =	vsel vm10, $0xFFFF3D00, v1  }
0x10a: {  	v31 =	vld.idx.msk [tilespmem:v23+s17+$0x0], vm5;
	v23 =	vadd.s32 v38, v40;
	v15 =	vadd.s32 v22, v15;
	v22 =	vmov s30  }
0x10b: {  	v39 =	vld.idx.msk [tilespmem:v24+s17+$0x0], vm8;
	vm9 =	vlt.s32 v18, $0x18680;
	[tilespmem:v27+s21+$0x0] =	vst.idx.msk vm7, v17;
	vm7 =	vlt.s32 v16, $0x18680;
	v22 =	vshrl.u32 v22, $0x7  }
0x10c: {  	v27 =	vld.idx.msk [tilespmem:v20+s17+$0x0], vm3;
	v20 =	vadd.s32 v35, v30;
	vm13 =	vgt.s32 v16, $0xC37F;
	v22 =	vshll.u32 v22, $0x7  }
0x10d: {  	v26 =	vld.idx.msk [tilespmem:v25+s17+$0x0], vm4;
	v41 =	vsel vm9, $0xFFFF3D00, v1;
	vm9 =	vlt.s32 v19, $0x18680;
	v24 =	vbroadcast v22, $0x0  }
0x10e: {  	v29 =	vld.idx.msk [tilespmem:v29+s17+$0x0], vm1;
	vm10 =	vgt.s32 v37, $0xC37F;
	v42 =	vsel vm9, $0xFFFF3D00, v1;
	vm9 =	vlt.s32 v21, $0x18680  }
0x10f: {  	v17 =	vadd.s32 v18, v41;
	v22 =	vadd.s32 v37, v33;
	v32 =	vld.idx.msk [tilespmem:v15+s17+$0x0], vm6;
	v33 =	vor.u32 v8, v24  }
0x110: {  	v30 =	vld.idx.msk [tilespmem:v28+s17+$0x0], vm2;
	[tilespmem:v36+s21+$0x0] =	vst.idx.msk vm8, v39;
	v43 =	vsel vm9, $0xFFFF3D00, v1;
	vm9 =	vgt.s32 v38, $0xC37F;
	v15 =	vsel vm7, $0xFFFF3D00, v1  }
0x111: {  	s31 =	simm.s32 $0x8;
	s3 =	simm.s32 $0x1A8F0;
	v28 =	vld.idx.msk [tilespmem:v34+s17+$0x0], vm0;
	v25 =	vadd.s32 v16, v15;
	v16 =	vadd.s32 v19, v42;
	v15 =	vadd.s32 v21, v43  }
.LBB2_9:
0x112: {  	vm12 =	vgt.s32 v18, $0xC37F;
	vm11 =	vmmov vm1;
	vm1 =	vgt.s32 v19, $0xC37F  }
0x113: {  	v34 =	vld [tilespmem:s3+$0x0];
	s31 =	sadd.s32 $0x8, s31;
	[tilespmem:v14+s21+$0x0] =	vst.idx.msk vm5, v31;
	vm8 =	vmmov vm0;
	vm0 =	vgt.s32 v21, $0xC37F;
	vm7 =	vmmov vm13  }
0x114: {  	v36 =	vor.u32 v0, v24;
	v14 =	vor.u32 v2, v24;
	vm5 =	vmmov vm14;
	v35 =	vld [tilespmem:s3+$0xFFFFFFA0];
	p1 =	slt.u32 s31, $0x1F8;
	[tilespmem:v33+s21+$0x0] =	vst.idx.msk vm6, v32  }
0x115: {  	v18 =	vor.u32 v3, v24;
	v19 =	vor.u32 v4, v24;
	v21 =	vor.u32 v5, v24;
	v37 =	vld [tilespmem:s3+$0xFFFFFFB0]  }
0x116: {  	v31 =	vor.u32 v6, v24;
	v24 =	vor.u32 v7, v24;
	v38 =	vld [tilespmem:s3+$0xFFFFFFC0];
	[tilespmem:v13+s21+$0x0] =	vst.idx.msk vm4, v26;
	v13 =	vmov v18  }
0x117: {  	vm4 =	vmmov vm10;
	v18 =	vld [tilespmem:s3+$0xFFFFFFD0];
	[tilespmem:v12+s21+$0x0] =	vst.idx.msk vm3, v27;
	v12 =	vmov v19;
	vm3 =	vmmov vm9  }
0x118: {  	v19 =	vld [tilespmem:s3+$0xFFFFFFE0];
	vm9 =	vlt.s32 v34, $0x18680;
	[tilespmem:v11+s21+$0x0] =	vst.idx.msk vm2, v30;
	v11 =	vmov v21;
	vm2 =	vmmov vm12  }
0x119: {  	vm6 =	vgt.s32 v34, $0xC37F;
	vm10 =	vlt.s32 v35, $0x18680;
	v21 =	vld [tilespmem:s3+$0xFFFFFFF0];
	v26 =	vsel vm9, $0xFFFF3D00, v1;
	[tilespmem:v10+s21+$0x0] =	vst.idx.msk vm11, v29;
	v10 =	vmovc v31  }
0x11a: {  	s30 =	sadd.s32 $0x80, s30;
	v39 =	vld [tilespmem:s3+$0xFFFFFF90];
	v29 =	vsel vm10, $0xFFFF3D00, v1;
	vm9 =	vlt.s32 v37, $0x18680;
	v30 =	vadd.s32 v34, v26;
	[tilespmem:v9+s21+$0x0] =	vst.idx.msk vm8, v28;
	v9 =	vmovc v24  }
0x11b: {  	v24 =	vmov s30;
	v28 =	vsel vm9, $0xFFFF3D00, v1;
	vm8 =	vlt.s32 v38, $0x18680;
	v34 =	vld.idx.msk [tilespmem:v25+s17+$0x0], vm13  }
0x11c: {  	v24 =	vshrl.u32 v24, $0x7;
	v40 =	vsel vm8, $0xFFFF3D00, v1;
	vm8 =	vlt.s32 v18, $0x18680;
	v31 =	vld.idx.msk [tilespmem:v20+s17+$0x0], vm14  }
0x11d: {  	v20 =	vshll.u32 v24, $0x7;
	v41 =	vsel vm8, $0xFFFF3D00, v1;
	vm8 =	vlt.s32 v19, $0x18680;
	v26 =	vld.idx.msk [tilespmem:v22+s17+$0x0], vm4  }
0x11e: {  	v24 =	vbroadcast v20, $0x0;
	v42 =	vsel vm8, $0xFFFF3D00, v1;
	vm8 =	vlt.s32 v21, $0x18680;
	v27 =	vld.idx.msk [tilespmem:v23+s17+$0x0], vm3  }
.Ltmp3:
0x11f: {  	v20 =	vadd.s32 v35, v29;
	vm9 =	vlt.s32 v39, $0x18680;
	v43 =	vsel vm8, $0xFFFF3D00, v1;
	v32 =	vld.idx.msk [tilespmem:v30+s17+$0x0], vm6;
	(pc) =	sbr.rel @p1 .LBB2_9-.Ltmp3, $4  }
0x120: {  	v22 =	vadd.s32 v37, v28;
	v33 =	vor.u32 v8, v24;
	v23 =	vsel vm9, $0xFFFF3D00, v1;
	v30 =	vld.idx.msk [tilespmem:v17+s17+$0x0], vm12  }
0x121: {  	v17 =	vadd.s32 v18, v41;
	v25 =	vadd.s32 v39, v23;
	v23 =	vadd.s32 v38, v40;
	v29 =	vld.idx.msk [tilespmem:v16+s17+$0x0], vm1  }
0x122: {  	vm13 =	vgt.s32 v39, $0xC37F;
	v16 =	vadd.s32 v19, v42;
	v28 =	vld.idx.msk [tilespmem:v15+s17+$0x0], vm0;
	v15 =	vadd.s32 v21, v43  }
0x123: {  	vm10 =	vgt.s32 v37, $0xC37F;
	s3 =	sadd.s32 $0x80, s3;
	vm14 =	vgt.s32 v35, $0xC37F;
	vm9 =	vgt.s32 v38, $0xC37F;
	[tilespmem:v36+s21+$0x0] =	vst.idx.msk vm7, v34  }
0x124: {  	_ =	sdelay $0x2  }
0x125: {  	vm8 =	vmmov vm10  }
0x126: {  	vm1 =	vmmov vm1;
	vm9 =	vmmov vm9  }
0x127: {  	vm11 =	vmmov vm13;
	vm7 =	vmmov vm14;
	[tilespmem:v14+s21+$0x0] =	vst.idx.msk vm5, v31;
	vm10 =	vgt.s32 v19, $0xC37F  }
0x128: {  	[tilespmem:v33+s21+$0x0] =	vst.idx.msk vm6, v32;
	v54 =	vor.u32 v0, v24;
	v55 =	vld.idx.msk [tilespmem:v25+s17+$0x0], vm13;
	vm7 =	vgt.s32 v18, $0xC37F;
	vm11 =	vgt.s32 v21, $0xC37F  }
0x129: {  	vm0 =	vmmov vm0;
	[tilespmem:v13+s21+$0x0] =	vst.idx.msk vm4, v26;
	v56 =	vor.u32 v2, v24;
	v57 =	vld.idx.msk [tilespmem:v20+s17+$0x0], vm14;
	vm5 =	vmmov vm7  }
0x12a: {  	[tilespmem:v12+s21+$0x0] =	vst.idx.msk vm3, v27  }
0x12b: {  	v58 =	vor.u32 v3, v24;
	[tilespmem:v11+s21+$0x0] =	vst.idx.msk vm2, v30;
	v11 =	vld.idx.msk [tilespmem:v22+s17+$0x0], vm8  }
0x12c: {  	v59 =	vor.u32 v4, v24;
	[tilespmem:v10+s21+$0x0] =	vst.idx.msk vm1, v29;
	v10 =	vld.idx.msk [tilespmem:v23+s17+$0x0], vm9  }
0x12d: {  	v61 =	vor.u32 v6, v24;
	[tilespmem:v54+s21+$0x0] =	vst.idx.msk vm13, v55;
	v16 =	vld.idx.msk [tilespmem:v16+s17+$0x0], vm10  }
0x12e: {  	v62 =	vor.u32 v7, v24;
	[tilespmem:v56+s21+$0x0] =	vst.idx.msk vm14, v57;
	v63 =	vld.idx.msk [tilespmem:v15+s17+$0x0], vm11  }
0x12f: {  	v60 =	vor.u32 v5, v24;
	[tilespmem:v9+s21+$0x0] =	vst.idx.msk vm0, v28;
	v9 =	vld.idx.msk [tilespmem:v17+s17+$0x0], vm5  }
0x130: {  	[tilespmem:v58+s21+$0x0] =	vst.idx.msk vm8, v11  }
0x131: {  	[tilespmem:v59+s21+$0x0] =	vst.idx.msk vm9, v10  }
0x132: {  	[tilespmem:v61+s21+$0x0] =	vst.idx.msk vm10, v16  }
0x133: {  	s3 =	sadd.s32 @!p0 $0xC300, s29;
	[tilespmem:v62+s21+$0x0] =	vst.idx.msk vm11, v63  }
0x134: {  	s29 =	simm.s32 @!p0 $0x80;
	s30 =	simm.s32 @!p0 $0x400;
	s31 =	simm.s32 @!p0 $0xC380;
	[tilespmem:v60+s21+$0x0] =	vst.idx.msk vm5, v9  }
0x135: {  	[tilespmem:s31], [sflag:$0x2] =	stream.strided.gather @!p0 [hbm4b:s3+s29], $0xC380, s30, s29, $0x38;
	[tilespmem:$0x1E780] =	vst v63  }
0x136: {  	s3 =	sshll.u32 @!p0 s24, $0xC;
	s24 =	sshll.u32 @!p0 s28, $0xA  }
0x137: {  	s3 =	sor.u32 @!p0 s3, s24  }
0x138: {  	s3 =	sor.u32 @!p0 s25, s3  }
0x139: {  	s23 =	sadd.s32 $0x1, s23;
	s3 =	sshrl.u32 @!p0 s3, $0x3  }
0x13a: {  	s24 =	simm.s32 @!p0 $0x0;
	s25 =	simm.s32 @!p0 $0x18700;
	s3 =	sadd.s32 @!p0 s7, s3  }
0x13b: {  	[tilespmem:s25], [sflag:$0x2] =	stream.linear.gather @!p0 [hbm4b:s3+s24], $0x80, $0x38;
	[tilespmem:$0x1E780] =	vst v63  }
0x13c: {  	p0 =	sne.s32 s23, $0x1A  }
.Ltmp4:
0x13d: {  	s31 =	sadd.s32 $0x2000, s26;
	(pc) =	sbr.rel @p0 .LBB2_2-.Ltmp4, $4  }
0x13e: {  	[hbm4b:s31+s12] =	stream.strided.scatter [tilespmem:s21], [sflag:$0x3], $0x2000, s13, s12, $0x38;
	[tilespmem:$0x1E780] =	vst v63  }
0x13f: {  	_ =	swait.ge [sflag:s15], $0x2000  }
0x140: {  	[sflag:s15] =	ssyncset.done $0x0  }
0x141: {  	vm12 =	vmmov vm10;
	vm15 =	vmmov vm11;
	[sflag:s15] =	ssyncadd.s32 $0xFFFFE000  }
0x142: {  	s22 =	sadd.s32 $0x1, s22  }
0x143: {  	p0 =	sne.s32 s22, s11  }
.Ltmp5:
0x144: {  	_ = 	snop;
	(pc) =	sbr.rel @p0 .LBB2_1-.Ltmp5, $1  }
0x145: {  	_ =	sdelay $0x3  }
0x146: {  	_ =	sfence.sel $0x180000  }
0x147: {  	[bflag:$0x0] =	sbarrier.arrive $0xFFFF  }
0x148: {  	_ =	strace $0x90000047  }
0x149: {  	[bflag:$0x2] =	sbarrier.arrive $0xFFFF  }
0x14a: {  	p0 =	sne.s32 s0, $0x0;
	s0 =	rddreg [dreg:$0x4]  }
0x14b: {  	s0 =	sadd.s32 @!p0 $0x100000, s0  }
0x14c: {  	[sflag:s0] =	ssyncadd.tile.s32 @!p0 $0x1;
	_ =	shalt  }
.Lfunc_end2:
_tile_overlayer_lowered:
.L_overlay_start_2:
0x14d: {  	(tag) =	ssettag $0x2  }
0x14e: {  	s0 =	rddreg [dreg:$0x0];
	s2 =	stileid.u32  }
0x14f: {  	s1 =	rddreg [dreg:$0x1];
	p0 =	sne.s32 s2, $0x0  }
0x150: {  	s3 =	rddreg [dreg:$0x2];
	[bflag:$0x3] =	sbarrier.arrive $0xFFFF;
	s2 =	simm.s32 @!p0 $0x1C03  }
0x151: {  	[timem:s3], [sflag:s2] =	dma.local @!p0 [hbm:s0], s1  }
0x152: {  	s0 =	simm.s32 @!p0 $0x3  }
0x153: {  	_ =	swait.ge @!p0 [sflag:s0], s1  }
0x154: {  	s1 =	ssub.s32 @!p0 $0x0, s1;
	[sflag:s0] =	ssyncset.done @!p0 $0x0  }
0x155: {  	[sflag:s0] =	ssyncadd.s32 @!p0 s1  }
0x156: {  	[bflag:$0x3] =	sbarrier.arrive $0xFFFF  }
0x157: {  	_ =	shalt  }

</sc_bundles>
